<compile_context>
chip_gen: v7x
topology: tpu7x:2x2x1
jax: 0.10.2.dev20260603
libtpu: 0.0.44.dev20260713+nightly
codegen_flags: <defaults>
</compile_context>

<pallas_src>
import functools

import jax
import jax.numpy as jnp
from jax import lax
from jax.experimental import pallas as pl
from jax.experimental.pallas import tpu as pltpu
from jax.experimental.pallas import tpu_sc as plsc

_N_NODES = 100000
_N_EDGES = 6400000

_NC = 2
_NS = 16
_NW = _NC * _NS

_NBINS = 102400
_BIN_PER = _NBINS // _NW
_E_PER = _N_EDGES // _NW
_W = 4000
_NWIN = _E_PER // _W
_WH = 8000
_NWINH = _E_PER // _WH
_WB = 10000
_NWINB = _E_PER // _WB
_LANES = 16

_mesh = plsc.VectorSubcoreMesh(
    core_axis_name="c", subcore_axis_name="s", num_cores=_NC, num_subcores=_NS
)

_params = pltpu.CompilerParams(needs_layout_passes=False)


def _worker_id():
    return lax.axis_index("s") * _NC + lax.axis_index("c")


@functools.partial(
    pl.kernel,
    out_type=jax.ShapeDtypeStruct((_NW * _NBINS,), jnp.int32),
    mesh=_mesh,
    compiler_params=_params,
    scratch_types=[
        pltpu.VMEM((_NBINS,), jnp.int32),
        pltpu.VMEM((_WB,), jnp.int32),
        pltpu.VMEM((_WB,), jnp.int32),
        pltpu.SemaphoreType.DMA((2,)),
    ],
)
def _hist_kernel(target_hbm, part_hbm, hist_v, idx0_v, idx1_v, sems):
    wid = _worker_id()
    bufs = (idx0_v, idx1_v)
    edge_base = wid * _E_PER

    def win_src(w):
        return target_hbm.at[pl.ds(edge_base + w * _WB, _WB)]

    pltpu.async_copy(win_src(0), bufs[0], sems.at[0])
    pltpu.async_copy(win_src(1), bufs[1], sems.at[1])

    @plsc.parallel_loop(0, _NBINS // _LANES, unroll=8)
    def _(i):
        hist_v[pl.ds(i * _LANES, _LANES)] = jnp.zeros((_LANES,), jnp.int32)

    def compute(buf):
        @plsc.parallel_loop(0, _WB // _LANES, unroll=8)
        def _(i):
            idx = buf[pl.ds(i * _LANES, _LANES)]
            cnt, last = plsc.scan_count(idx)
            plsc.addupdate_scatter(hist_v, [idx], cnt, mask=last)

    def outer(t, _):
        g = t * 2
        for b in range(2):
            w = g + b
            pltpu.make_async_copy(win_src(w), bufs[b], sems.at[b]).wait()
            compute(bufs[b])

            @pl.when(w + 2 < _NWINB)
            def _():
                pltpu.async_copy(win_src(w + 2), bufs[b], sems.at[b])

        return 0

    lax.fori_loop(0, _NWINB // 2, outer, 0)

    pltpu.sync_copy(hist_v, part_hbm.at[pl.ds(wid * _NBINS, _NBINS)])


_TC_ROWS = _NBINS // 128
_TC_BLK = _TC_ROWS // 2


@functools.partial(
    pl.pallas_call,
    out_shape=jax.ShapeDtypeStruct((_TC_ROWS, 128), jnp.float32),
    grid=(2,),
    in_specs=[pl.BlockSpec((_NW, _TC_BLK, 128), lambda i: (0, i, 0))],
    out_specs=pl.BlockSpec((_TC_BLK, 128), lambda i: (i, 0)),
)
def _reduce_kernel_tc(parts_ref, inv_ref):
    inv_ref[...] = 1.0 / jnp.sum(parts_ref[...], axis=0).astype(jnp.float32)


@functools.partial(
    pl.kernel,
    out_type=jax.ShapeDtypeStruct((_N_EDGES,), jnp.float32),
    mesh=_mesh,
    compiler_params=_params,
    scratch_types=[
        pltpu.VMEM((_NBINS,), jnp.float32),
        pltpu.VMEM((_WH,), jnp.float32),
        pltpu.VMEM((_WH,), jnp.float32),
        pltpu.VMEM((_WH,), jnp.float32),
        pltpu.SemaphoreType.DMA((3,)),
        pltpu.SemaphoreType.DMA((3,)),
    ],
)
def _weights_kernel(targetf_hbm, inv_hbm, out_hbm, inv_v, b0_v, b1_v, b2_v, isems, osems):
    wid = _worker_id()
    bufs = (b0_v, b1_v, b2_v)
    edge_base = wid * _E_PER

    def win_src(w):
        return targetf_hbm.at[pl.ds(edge_base + w * _WH, _WH)]

    def win_dst(w):
        return out_hbm.at[pl.ds(edge_base + w * _WH, _WH)]

    pltpu.async_copy(win_src(0), bufs[0], isems.at[0])
    pltpu.async_copy(win_src(1), bufs[1], isems.at[1])

    pltpu.sync_copy(inv_hbm, inv_v)

    def compute(buf):
        @plsc.parallel_loop(0, _WH // _LANES, unroll=8)
        def _(i):
            s = pl.ds(i * _LANES, _LANES)
            idx = plsc.bitcast(buf[s], jnp.int32)
            buf[s] = plsc.load_gather(inv_v, [idx])

    def step(w, b):
        nb = (b + 2) % 3
        pltpu.make_async_copy(win_src(w), bufs[b], isems.at[b]).wait()
        compute(bufs[b])

        @pl.when(w >= 1)
        def _():
            pltpu.make_async_copy(bufs[nb], win_dst(w - 1), osems.at[nb]).wait()

        @pl.when(w + 2 < _NWINH)
        def _():
            pltpu.async_copy(win_src(w + 2), bufs[nb], isems.at[nb])

        pltpu.async_copy(bufs[b], win_dst(w), osems.at[b])

    def outer(t, _):
        g = t * 3
        for b in range(3):
            step(g + b, b)
        return 0

    lax.fori_loop(0, _NWINH // 3, outer, 0)
    step(_NWINH - 1, (_NWINH - 1) % 3)
    pltpu.make_async_copy(
        bufs[(_NWINH - 1) % 3], win_dst(_NWINH - 1), osems.at[(_NWINH - 1) % 3]
    ).wait()


def kernel(source, target):
    del source
    target = target.astype(jnp.int32)
    partials = _hist_kernel(target)
    inv_counts = _reduce_kernel_tc(
        partials.reshape(_NW, _TC_ROWS, 128)
    ).reshape(_NBINS)
    targetf = lax.bitcast_convert_type(target, jnp.float32)
    weights = _weights_kernel(targetf, inv_counts)
    return weights

# --- scband reference (transcript-rebuilt; emitter-appended) ---
"""Pipeline reference for scband-inverse-in-degree-edge-weighting-27247272526379 (READ-ONLY COPY).

The authoritative reference and input builder live on the scoring server;
editing this copy changes nothing except your own understanding.
"""

import jax, jax.numpy as jnp
import numpy as np

N_NODES = 100000
N_EDGES = 6400000

def setup_inputs(seed: int = 0) -> dict:
    key = jax.random.key(seed)
    k1, k2 = jax.random.split(key)
    source = jax.random.randint(k1, (N_EDGES,), 0, N_NODES, dtype=jnp.int64 if jax.config.jax_enable_x64 else jnp.int32)
    target = jax.random.randint(k2, (N_EDGES,), 0, N_NODES, dtype=jnp.int64 if jax.config.jax_enable_x64 else jnp.int32)
    return {"source": source, "target": target}

def reference(source, target):
    # Faithful translation of InverseInDegreeEdgeWeighting:
    # torch.unique(target, return_counts=True, return_inverse=True) gives, for each
    # edge e, cnt[inv[e]] == number of occurrences of target[e] in target.
    # Equivalently: counts = bincount(target); per-edge count = counts[target].
    counts = jnp.bincount(target, length=N_NODES)
    per_edge_count = jnp.take(counts, target, axis=0)
    weights = jnp.reciprocal(per_edge_count.astype(jnp.float32))
    return weights

if __name__ == "__main__":
    import jax
    _d = setup_inputs()
    print(jax.jit(kernel)(*tuple(_d.values())))

</pallas_src>

<mosaic_0001>
#map = affine_map<(d0, d1) -> (0)>
module attributes {stable_mosaic.version = 14 : i64} {
  func.func @_weights_kernel(%arg0: i32, %arg1: i32, %arg2: memref<6400000xf32, #tpu.memory_space<hbm>>, %arg3: memref<102400xf32, #tpu.memory_space<hbm>>, %arg4: memref<6400000xf32, #tpu.memory_space<hbm>>, %arg5: memref<102400xf32, #tpu.memory_space<vmem>>, %arg6: memref<8000xf32, #tpu.memory_space<vmem>>, %arg7: memref<8000xf32, #tpu.memory_space<vmem>>, %arg8: memref<8000xf32, #tpu.memory_space<vmem>>, %arg9: memref<3x!tpu.dma_semaphore, #tpu.memory_space<semaphore_mem>>, %arg10: memref<3x!tpu.dma_semaphore, #tpu.memory_space<semaphore_mem>>) attributes {dimension_semantics = [#tpu.dimension_semantics<core_parallel>, #tpu.dimension_semantics<subcore_parallel>], iteration_bounds = array<i64: 2, 16>, scalar_prefetch = 0 : i64, scratch_operands = 6 : i64, tpu.core_type = #tpu.core_type<sc_vector_subcore>, window_params = [{transform_indices = #map}, {transform_indices = #map}, {transform_indices = #map}]} {
    %mul3A = arith.constant 2 : i32
    %mul3A_0 = arith.muli %arg1, %mul3A : i32
    %add3A = arith.addi %mul3A_0, %arg0 : i32
    %mul3A_1 = arith.constant 200000 : i32
    %mul3A_2 = arith.muli %add3A, %mul3A_1 : i32
    %add3A_3 = arith.constant 0 : i32
    %add3A_4 = arith.addi %mul3A_2, %add3A_3 : i32
    %dma_start3A = arith.constant 0 : i32
    %dma_start3A_5 = tpu.memref_slice %arg2[%add3A_4] : memref<6400000xf32, #tpu.memory_space<hbm>> -> memref<8000xf32, #tpu.memory_space<hbm>>
    %dma_start3A_6 = tpu.memref_slice %arg9[%dma_start3A] : memref<3x!tpu.dma_semaphore, #tpu.memory_space<semaphore_mem>> -> memref<1x!tpu.dma_semaphore, #tpu.memory_space<semaphore_mem>>
    %dma_start3A_7 = tpu.memref_squeeze %dma_start3A_6 : memref<1x!tpu.dma_semaphore, #tpu.memory_space<semaphore_mem>> -> memref<!tpu.dma_semaphore, #tpu.memory_space<semaphore_mem>>
    %dma_start3A_8 = tpu.memref_slice %arg2[%add3A_4] : memref<6400000xf32, #tpu.memory_space<hbm>> -> memref<8000xf32, #tpu.memory_space<hbm>>
    tpu.enqueue_dma source(%dma_start3A_8 : memref<8000xf32, #tpu.memory_space<hbm>>) target(%arg6 : memref<8000xf32, #tpu.memory_space<vmem>>) target_semaphore(%dma_start3A_7 : memref<!tpu.dma_semaphore, #tpu.memory_space<semaphore_mem>>)
    %add3A_9 = arith.constant 8000 : i32
    %add3A_10 = arith.addi %mul3A_2, %add3A_9 : i32
    %dma_start3A_11 = arith.constant 1 : i32
    %dma_start3A_12 = tpu.memref_slice %arg2[%add3A_10] : memref<6400000xf32, #tpu.memory_space<hbm>> -> memref<8000xf32, #tpu.memory_space<hbm>>
    %dma_start3A_13 = tpu.memref_slice %arg9[%dma_start3A_11] : memref<3x!tpu.dma_semaphore, #tpu.memory_space<semaphore_mem>> -> memref<1x!tpu.dma_semaphore, #tpu.memory_space<semaphore_mem>>
    %dma_start3A_14 = tpu.memref_squeeze %dma_start3A_13 : memref<1x!tpu.dma_semaphore, #tpu.memory_space<semaphore_mem>> -> memref<!tpu.dma_semaphore, #tpu.memory_space<semaphore_mem>>
    %dma_start3A_15 = tpu.memref_slice %arg2[%add3A_10] : memref<6400000xf32, #tpu.memory_space<hbm>> -> memref<8000xf32, #tpu.memory_space<hbm>>
    tpu.enqueue_dma source(%dma_start3A_15 : memref<8000xf32, #tpu.memory_space<hbm>>) target(%arg7 : memref<8000xf32, #tpu.memory_space<vmem>>) target_semaphore(%dma_start3A_14 : memref<!tpu.dma_semaphore, #tpu.memory_space<semaphore_mem>>)
    "tpu.region"() ({
      %run_scoped3A = tpu.sem_alloc : memref<!tpu.dma_semaphore, #tpu.memory_space<semaphore_mem>>
      tpu.enqueue_dma source(%arg3 : memref<102400xf32, #tpu.memory_space<hbm>>) target(%arg5 : memref<102400xf32, #tpu.memory_space<vmem>>) target_semaphore(%run_scoped3A : memref<!tpu.dma_semaphore, #tpu.memory_space<semaphore_mem>>)
      tpu.wait_dma2 semaphore(%run_scoped3A : memref<!tpu.dma_semaphore, #tpu.memory_space<semaphore_mem>>) src(%arg3 : memref<102400xf32, #tpu.memory_space<hbm>>) dst(%arg5 : memref<102400xf32, #tpu.memory_space<vmem>>)
      tpu.yield
    }) : () -> ()
    %scan3A = arith.constant 0 : i32
    %scan3A_16 = arith.constant 0 : i32
    %scan3A_17 = arith.constant 8 : i32
    %scan3A_18 = arith.addi %scan3A_16, %scan3A_17 : i32
    %scan3A_19 = arith.constant 1 : i32
    %scan3A_20 = scf.for %scan3A_51 = %scan3A_16 to %scan3A_18 step %scan3A_19 iter_args(%scan3A_52 = %scan3A) -> (i32)  : i32 {
      %mul3A_53 = arith.constant 3 : i32
      %mul3A_54 = arith.muli %scan3A_51, %mul3A_53 : i32
      %add3A_55 = arith.constant 0 : i32
      %add3A_56 = arith.addi %mul3A_54, %add3A_55 : i32
      %mul3A_57 = arith.constant 8000 : i32
      %mul3A_58 = arith.muli %add3A_56, %mul3A_57 : i32
      %add3A_59 = arith.addi %mul3A_2, %mul3A_58 : i32
      %dma_wait3A_60 = arith.constant 0 : i32
      %dma_wait3A_61 = tpu.memref_slice %arg2[%add3A_59] : memref<6400000xf32, #tpu.memory_space<hbm>> -> memref<8000xf32, #tpu.memory_space<hbm>>
      %dma_wait3A_62 = tpu.memref_slice %arg9[%dma_wait3A_60] : memref<3x!tpu.dma_semaphore, #tpu.memory_space<semaphore_mem>> -> memref<1x!tpu.dma_semaphore, #tpu.memory_space<semaphore_mem>>
      %dma_wait3A_63 = tpu.memref_squeeze %dma_wait3A_62 : memref<1x!tpu.dma_semaphore, #tpu.memory_space<semaphore_mem>> -> memref<!tpu.dma_semaphore, #tpu.memory_space<semaphore_mem>>
      %dma_wait3A_64 = tpu.memref_slice %arg2[%add3A_59] : memref<6400000xf32, #tpu.memory_space<hbm>> -> memref<8000xf32, #tpu.memory_space<hbm>>
      tpu.wait_dma2 semaphore(%dma_wait3A_63 : memref<!tpu.dma_semaphore, #tpu.memory_space<semaphore_mem>>) src(%dma_wait3A_64 : memref<8000xf32, #tpu.memory_space<hbm>>) dst(%arg6 : memref<8000xf32, #tpu.memory_space<vmem>>)
      %parallel_loop3A_65 = arith.constant 0 : i32
      %parallel_loop3A_66 = arith.constant 500 : i32
      %parallel_loop3A_67 = arith.constant 1 : i32
      scf.for %parallel_loop3A_151 = %parallel_loop3A_65 to %parallel_loop3A_66 step %parallel_loop3A_67  : i32 {
        %parallel_loop3A_152 = arith.constant 16 : i32
        %parallel_loop3A_153 = arith.muli %parallel_loop3A_151, %parallel_loop3A_152 : i32
        %parallel_loop3A_154 = arith.index_cast %parallel_loop3A_153 : i32 to index
        %parallel_loop3A_155 = tpu.vector_load %arg6[%parallel_loop3A_154] {strides = array<i32>} : memref<8000xf32, #tpu.memory_space<vmem>>, vector<16xf32>,
        %parallel_loop3A_156 = vector.bitcast %parallel_loop3A_155 : vector<16xf32> to vector<16xi32>
        %parallel_loop3A_157 = tpu.vector_load_idx %arg5[%parallel_loop3A_156] : memref<102400xf32, #tpu.memory_space<vmem>>[vector<16xi32>], vector<16xf32>,
        %parallel_loop3A_158 = arith.index_cast %parallel_loop3A_153 : i32 to index
        %parallel_loop3A_159 = tpu.vector_load %arg6[%parallel_loop3A_158] {strides = array<i32>} : memref<8000xf32, #tpu.memory_space<vmem>>, vector<16xf32>,
        tpu.vector_store %arg6[%parallel_loop3A_158], %parallel_loop3A_157 {strides = array<i32>} : memref<8000xf32, #tpu.memory_space<vmem>>, vector<16xf32>,
      } {sc.loop_unroll_factor = 8 : i64, sc.parallel_access}
      %ge3A = arith.constant 1 : i32
      %ge3A_68 = arith.cmpi sge, %add3A_56, %ge3A : i32
      %convert_element_type3A = arith.extui %ge3A_68 : i1 to i32
      %cond3A = arith.constant 0 : i32
      %cond3A_69 = arith.cmpi ne, %convert_element_type3A, %cond3A : i32
      scf.if %cond3A_69 {
        %sub3A = arith.constant 1 : i32
        %sub3A_151 = arith.subi %add3A_56, %sub3A : i32
        %mul3A_152 = arith.constant 8000 : i32
        %mul3A_153 = arith.muli %sub3A_151, %mul3A_152 : i32
        %add3A_154 = arith.addi %mul3A_2, %mul3A_153 : i32
        %dma_wait3A_155 = arith.constant 2 : i32
        %dma_wait3A_156 = tpu.memref_slice %arg4[%add3A_154] : memref<6400000xf32, #tpu.memory_space<hbm>> -> memref<8000xf32, #tpu.memory_space<hbm>>
        %dma_wait3A_157 = tpu.memref_slice %arg10[%dma_wait3A_155] : memref<3x!tpu.dma_semaphore, #tpu.memory_space<semaphore_mem>> -> memref<1x!tpu.dma_semaphore, #tpu.memory_space<semaphore_mem>>
        %dma_wait3A_158 = tpu.memref_squeeze %dma_wait3A_157 : memref<1x!tpu.dma_semaphore, #tpu.memory_space<semaphore_mem>> -> memref<!tpu.dma_semaphore, #tpu.memory_space<semaphore_mem>>
        %dma_wait3A_159 = tpu.memref_slice %arg4[%add3A_154] : memref<6400000xf32, #tpu.memory_space<hbm>> -> memref<8000xf32, #tpu.memory_space<hbm>>
        tpu.wait_dma2 semaphore(%dma_wait3A_158 : memref<!tpu.dma_semaphore, #tpu.memory_space<semaphore_mem>>) src(%arg8 : memref<8000xf32, #tpu.memory_space<vmem>>) dst(%dma_wait3A_159 : memref<8000xf32, #tpu.memory_space<hbm>>)
      } else {
      }
      %add3A_70 = arith.constant 2 : i32
      %add3A_71 = arith.addi %add3A_56, %add3A_70 : i32
      %lt3A = arith.constant 25 : i32
      %lt3A_72 = arith.cmpi slt, %add3A_71, %lt3A : i32
      %convert_element_type3A_73 = arith.extui %lt3A_72 : i1 to i32
      %cond3A_74 = arith.constant 0 : i32
      %cond3A_75 = arith.cmpi ne, %convert_element_type3A_73, %cond3A_74 : i32
      scf.if %cond3A_75 {
        %add3A_151 = arith.constant 2 : i32
        %add3A_152 = arith.addi %add3A_56, %add3A_151 : i32
        %mul3A_153 = arith.constant 8000 : i32
        %mul3A_154 = arith.muli %add3A_152, %mul3A_153 : i32
        %add3A_155 = arith.addi %mul3A_2, %mul3A_154 : i32
        %dma_start3A_156 = arith.constant 2 : i32
        %dma_start3A_157 = tpu.memref_slice %arg2[%add3A_155] : memref<6400000xf32, #tpu.memory_space<hbm>> -> memref<8000xf32, #tpu.memory_space<hbm>>
        %dma_start3A_158 = tpu.memref_slice %arg9[%dma_start3A_156] : memref<3x!tpu.dma_semaphore, #tpu.memory_space<semaphore_mem>> -> memref<1x!tpu.dma_semaphore, #tpu.memory_space<semaphore_mem>>
        %dma_start3A_159 = tpu.memref_squeeze %dma_start3A_158 : memref<1x!tpu.dma_semaphore, #tpu.memory_space<semaphore_mem>> -> memref<!tpu.dma_semaphore, #tpu.memory_space<semaphore_mem>>
        %dma_start3A_160 = tpu.memref_slice %arg2[%add3A_155] : memref<6400000xf32, #tpu.memory_space<hbm>> -> memref<8000xf32, #tpu.memory_space<hbm>>
        tpu.enqueue_dma source(%dma_start3A_160 : memref<8000xf32, #tpu.memory_space<hbm>>) target(%arg8 : memref<8000xf32, #tpu.memory_space<vmem>>) target_semaphore(%dma_start3A_159 : memref<!tpu.dma_semaphore, #tpu.memory_space<semaphore_mem>>)
      } else {
      }
      %mul3A_76 = arith.constant 8000 : i32
      %mul3A_77 = arith.muli %add3A_56, %mul3A_76 : i32
      %add3A_78 = arith.addi %mul3A_2, %mul3A_77 : i32
      %dma_start3A_79 = arith.constant 0 : i32
      %dma_start3A_80 = tpu.memref_slice %arg4[%add3A_78] : memref<6400000xf32, #tpu.memory_space<hbm>> -> memref<8000xf32, #tpu.memory_space<hbm>>
      %dma_start3A_81 = tpu.memref_slice %arg10[%dma_start3A_79] : memref<3x!tpu.dma_semaphore, #tpu.memory_space<semaphore_mem>> -> memref<1x!tpu.dma_semaphore, #tpu.memory_space<semaphore_mem>>
      %dma_start3A_82 = tpu.memref_squeeze %dma_start3A_81 : memref<1x!tpu.dma_semaphore, #tpu.memory_space<semaphore_mem>> -> memref<!tpu.dma_semaphore, #tpu.memory_space<semaphore_mem>>
      %dma_start3A_83 = tpu.memref_slice %arg4[%add3A_78] : memref<6400000xf32, #tpu.memory_space<hbm>> -> memref<8000xf32, #tpu.memory_space<hbm>>
      tpu.enqueue_dma source(%arg6 : memref<8000xf32, #tpu.memory_space<vmem>>) target(%dma_start3A_83 : memref<8000xf32, #tpu.memory_space<hbm>>) target_semaphore(%dma_start3A_82 : memref<!tpu.dma_semaphore, #tpu.memory_space<semaphore_mem>>)
      %add3A_84 = arith.constant 1 : i32
      %add3A_85 = arith.addi %mul3A_54, %add3A_84 : i32
      %mul3A_86 = arith.constant 8000 : i32
      %mul3A_87 = arith.muli %add3A_85, %mul3A_86 : i32
      %add3A_88 = arith.addi %mul3A_2, %mul3A_87 : i32
      %dma_wait3A_89 = arith.constant 1 : i32
      %dma_wait3A_90 = tpu.memref_slice %arg2[%add3A_88] : memref<6400000xf32, #tpu.memory_space<hbm>> -> memref<8000xf32, #tpu.memory_space<hbm>>
      %dma_wait3A_91 = tpu.memref_slice %arg9[%dma_wait3A_89] : memref<3x!tpu.dma_semaphore, #tpu.memory_space<semaphore_mem>> -> memref<1x!tpu.dma_semaphore, #tpu.memory_space<semaphore_mem>>
      %dma_wait3A_92 = tpu.memref_squeeze %dma_wait3A_91 : memref<1x!tpu.dma_semaphore, #tpu.memory_space<semaphore_mem>> -> memref<!tpu.dma_semaphore, #tpu.memory_space<semaphore_mem>>
      %dma_wait3A_93 = tpu.memref_slice %arg2[%add3A_88] : memref<6400000xf32, #tpu.memory_space<hbm>> -> memref<8000xf32, #tpu.memory_space<hbm>>
      tpu.wait_dma2 semaphore(%dma_wait3A_92 : memref<!tpu.dma_semaphore, #tpu.memory_space<semaphore_mem>>) src(%dma_wait3A_93 : memref<8000xf32, #tpu.memory_space<hbm>>) dst(%arg7 : memref<8000xf32, #tpu.memory_space<vmem>>)
      %parallel_loop3A_94 = arith.constant 0 : i32
      %parallel_loop3A_95 = arith.constant 500 : i32
      %parallel_loop3A_96 = arith.constant 1 : i32
      scf.for %parallel_loop3A_151 = %parallel_loop3A_94 to %parallel_loop3A_95 step %parallel_loop3A_96  : i32 {
        %parallel_loop3A_152 = arith.constant 16 : i32
        %parallel_loop3A_153 = arith.muli %parallel_loop3A_151, %parallel_loop3A_152 : i32
        %parallel_loop3A_154 = arith.index_cast %parallel_loop3A_153 : i32 to index
        %parallel_loop3A_155 = tpu.vector_load %arg7[%parallel_loop3A_154] {strides = array<i32>} : memref<8000xf32, #tpu.memory_space<vmem>>, vector<16xf32>,
        %parallel_loop3A_156 = vector.bitcast %parallel_loop3A_155 : vector<16xf32> to vector<16xi32>
        %parallel_loop3A_157 = tpu.vector_load_idx %arg5[%parallel_loop3A_156] : memref<102400xf32, #tpu.memory_space<vmem>>[vector<16xi32>], vector<16xf32>,
        %parallel_loop3A_158 = arith.index_cast %parallel_loop3A_153 : i32 to index
        %parallel_loop3A_159 = tpu.vector_load %arg7[%parallel_loop3A_158] {strides = array<i32>} : memref<8000xf32, #tpu.memory_space<vmem>>, vector<16xf32>,
        tpu.vector_store %arg7[%parallel_loop3A_158], %parallel_loop3A_157 {strides = array<i32>} : memref<8000xf32, #tpu.memory_space<vmem>>, vector<16xf32>,
      } {sc.loop_unroll_factor = 8 : i64, sc.parallel_access}
      %ge3A_97 = arith.constant 1 : i32
      %ge3A_98 = arith.cmpi sge, %add3A_85, %ge3A_97 : i32
      %convert_element_type3A_99 = arith.extui %ge3A_98 : i1 to i32
      %cond3A_100 = arith.constant 0 : i32
      %cond3A_101 = arith.cmpi ne, %convert_element_type3A_99, %cond3A_100 : i32
      scf.if %cond3A_101 {
        %sub3A = arith.constant 1 : i32
        %sub3A_151 = arith.subi %add3A_85, %sub3A : i32
        %mul3A_152 = arith.constant 8000 : i32
        %mul3A_153 = arith.muli %sub3A_151, %mul3A_152 : i32
        %add3A_154 = arith.addi %mul3A_2, %mul3A_153 : i32
        %dma_wait3A_155 = arith.constant 0 : i32
        %dma_wait3A_156 = tpu.memref_slice %arg4[%add3A_154] : memref<6400000xf32, #tpu.memory_space<hbm>> -> memref<8000xf32, #tpu.memory_space<hbm>>
        %dma_wait3A_157 = tpu.memref_slice %arg10[%dma_wait3A_155] : memref<3x!tpu.dma_semaphore, #tpu.memory_space<semaphore_mem>> -> memref<1x!tpu.dma_semaphore, #tpu.memory_space<semaphore_mem>>
        %dma_wait3A_158 = tpu.memref_squeeze %dma_wait3A_157 : memref<1x!tpu.dma_semaphore, #tpu.memory_space<semaphore_mem>> -> memref<!tpu.dma_semaphore, #tpu.memory_space<semaphore_mem>>
        %dma_wait3A_159 = tpu.memref_slice %arg4[%add3A_154] : memref<6400000xf32, #tpu.memory_space<hbm>> -> memref<8000xf32, #tpu.memory_space<hbm>>
        tpu.wait_dma2 semaphore(%dma_wait3A_158 : memref<!tpu.dma_semaphore, #tpu.memory_space<semaphore_mem>>) src(%arg6 : memref<8000xf32, #tpu.memory_space<vmem>>) dst(%dma_wait3A_159 : memref<8000xf32, #tpu.memory_space<hbm>>)
      } else {
      }
      %add3A_102 = arith.constant 2 : i32
      %add3A_103 = arith.addi %add3A_85, %add3A_102 : i32
      %lt3A_104 = arith.constant 25 : i32
      %lt3A_105 = arith.cmpi slt, %add3A_103, %lt3A_104 : i32
      %convert_element_type3A_106 = arith.extui %lt3A_105 : i1 to i32
      %cond3A_107 = arith.constant 0 : i32
      %cond3A_108 = arith.cmpi ne, %convert_element_type3A_106, %cond3A_107 : i32
      scf.if %cond3A_108 {
        %add3A_151 = arith.constant 2 : i32
        %add3A_152 = arith.addi %add3A_85, %add3A_151 : i32
        %mul3A_153 = arith.constant 8000 : i32
        %mul3A_154 = arith.muli %add3A_152, %mul3A_153 : i32
        %add3A_155 = arith.addi %mul3A_2, %mul3A_154 : i32
        %dma_start3A_156 = arith.constant 0 : i32
        %dma_start3A_157 = tpu.memref_slice %arg2[%add3A_155] : memref<6400000xf32, #tpu.memory_space<hbm>> -> memref<8000xf32, #tpu.memory_space<hbm>>
        %dma_start3A_158 = tpu.memref_slice %arg9[%dma_start3A_156] : memref<3x!tpu.dma_semaphore, #tpu.memory_space<semaphore_mem>> -> memref<1x!tpu.dma_semaphore, #tpu.memory_space<semaphore_mem>>
        %dma_start3A_159 = tpu.memref_squeeze %dma_start3A_158 : memref<1x!tpu.dma_semaphore, #tpu.memory_space<semaphore_mem>> -> memref<!tpu.dma_semaphore, #tpu.memory_space<semaphore_mem>>
        %dma_start3A_160 = tpu.memref_slice %arg2[%add3A_155] : memref<6400000xf32, #tpu.memory_space<hbm>> -> memref<8000xf32, #tpu.memory_space<hbm>>
        tpu.enqueue_dma source(%dma_start3A_160 : memref<8000xf32, #tpu.memory_space<hbm>>) target(%arg6 : memref<8000xf32, #tpu.memory_space<vmem>>) target_semaphore(%dma_start3A_159 : memref<!tpu.dma_semaphore, #tpu.memory_space<semaphore_mem>>)
      } else {
      }
      %mul3A_109 = arith.constant 8000 : i32
      %mul3A_110 = arith.muli %add3A_85, %mul3A_109 : i32
      %add3A_111 = arith.addi %mul3A_2, %mul3A_110 : i32
      %dma_start3A_112 = arith.constant 1 : i32
      %dma_start3A_113 = tpu.memref_slice %arg4[%add3A_111] : memref<6400000xf32, #tpu.memory_space<hbm>> -> memref<8000xf32, #tpu.memory_space<hbm>>
      %dma_start3A_114 = tpu.memref_slice %arg10[%dma_start3A_112] : memref<3x!tpu.dma_semaphore, #tpu.memory_space<semaphore_mem>> -> memref<1x!tpu.dma_semaphore, #tpu.memory_space<semaphore_mem>>
      %dma_start3A_115 = tpu.memref_squeeze %dma_start3A_114 : memref<1x!tpu.dma_semaphore, #tpu.memory_space<semaphore_mem>> -> memref<!tpu.dma_semaphore, #tpu.memory_space<semaphore_mem>>
      %dma_start3A_116 = tpu.memref_slice %arg4[%add3A_111] : memref<6400000xf32, #tpu.memory_space<hbm>> -> memref<8000xf32, #tpu.memory_space<hbm>>
      tpu.enqueue_dma source(%arg7 : memref<8000xf32, #tpu.memory_space<vmem>>) target(%dma_start3A_116 : memref<8000xf32, #tpu.memory_space<hbm>>) target_semaphore(%dma_start3A_115 : memref<!tpu.dma_semaphore, #tpu.memory_space<semaphore_mem>>)
      %add3A_117 = arith.constant 2 : i32
      %add3A_118 = arith.addi %mul3A_54, %add3A_117 : i32
      %mul3A_119 = arith.constant 8000 : i32
      %mul3A_120 = arith.muli %add3A_118, %mul3A_119 : i32
      %add3A_121 = arith.addi %mul3A_2, %mul3A_120 : i32
      %dma_wait3A_122 = arith.constant 2 : i32
      %dma_wait3A_123 = tpu.memref_slice %arg2[%add3A_121] : memref<6400000xf32, #tpu.memory_space<hbm>> -> memref<8000xf32, #tpu.memory_space<hbm>>
      %dma_wait3A_124 = tpu.memref_slice %arg9[%dma_wait3A_122] : memref<3x!tpu.dma_semaphore, #tpu.memory_space<semaphore_mem>> -> memref<1x!tpu.dma_semaphore, #tpu.memory_space<semaphore_mem>>
      %dma_wait3A_125 = tpu.memref_squeeze %dma_wait3A_124 : memref<1x!tpu.dma_semaphore, #tpu.memory_space<semaphore_mem>> -> memref<!tpu.dma_semaphore, #tpu.memory_space<semaphore_mem>>
      %dma_wait3A_126 = tpu.memref_slice %arg2[%add3A_121] : memref<6400000xf32, #tpu.memory_space<hbm>> -> memref<8000xf32, #tpu.memory_space<hbm>>
      tpu.wait_dma2 semaphore(%dma_wait3A_125 : memref<!tpu.dma_semaphore, #tpu.memory_space<semaphore_mem>>) src(%dma_wait3A_126 : memref<8000xf32, #tpu.memory_space<hbm>>) dst(%arg8 : memref<8000xf32, #tpu.memory_space<vmem>>)
      %parallel_loop3A_127 = arith.constant 0 : i32
      %parallel_loop3A_128 = arith.constant 500 : i32
      %parallel_loop3A_129 = arith.constant 1 : i32
      scf.for %parallel_loop3A_151 = %parallel_loop3A_127 to %parallel_loop3A_128 step %parallel_loop3A_129  : i32 {
        %parallel_loop3A_152 = arith.constant 16 : i32
        %parallel_loop3A_153 = arith.muli %parallel_loop3A_151, %parallel_loop3A_152 : i32
        %parallel_loop3A_154 = arith.index_cast %parallel_loop3A_153 : i32 to index
        %parallel_loop3A_155 = tpu.vector_load %arg8[%parallel_loop3A_154] {strides = array<i32>} : memref<8000xf32, #tpu.memory_space<vmem>>, vector<16xf32>,
        %parallel_loop3A_156 = vector.bitcast %parallel_loop3A_155 : vector<16xf32> to vector<16xi32>
        %parallel_loop3A_157 = tpu.vector_load_idx %arg5[%parallel_loop3A_156] : memref<102400xf32, #tpu.memory_space<vmem>>[vector<16xi32>], vector<16xf32>,
        %parallel_loop3A_158 = arith.index_cast %parallel_loop3A_153 : i32 to index
        %parallel_loop3A_159 = tpu.vector_load %arg8[%parallel_loop3A_158] {strides = array<i32>} : memref<8000xf32, #tpu.memory_space<vmem>>, vector<16xf32>,
        tpu.vector_store %arg8[%parallel_loop3A_158], %parallel_loop3A_157 {strides = array<i32>} : memref<8000xf32, #tpu.memory_space<vmem>>, vector<16xf32>,
      } {sc.loop_unroll_factor = 8 : i64, sc.parallel_access}
      %ge3A_130 = arith.constant 1 : i32
      %ge3A_131 = arith.cmpi sge, %add3A_118, %ge3A_130 : i32
      %convert_element_type3A_132 = arith.extui %ge3A_131 : i1 to i32
      %cond3A_133 = arith.constant 0 : i32
      %cond3A_134 = arith.cmpi ne, %convert_element_type3A_132, %cond3A_133 : i32
      scf.if %cond3A_134 {
        %sub3A = arith.constant 1 : i32
        %sub3A_151 = arith.subi %add3A_118, %sub3A : i32
        %mul3A_152 = arith.constant 8000 : i32
        %mul3A_153 = arith.muli %sub3A_151, %mul3A_152 : i32
        %add3A_154 = arith.addi %mul3A_2, %mul3A_153 : i32
        %dma_wait3A_155 = arith.constant 1 : i32
        %dma_wait3A_156 = tpu.memref_slice %arg4[%add3A_154] : memref<6400000xf32, #tpu.memory_space<hbm>> -> memref<8000xf32, #tpu.memory_space<hbm>>
        %dma_wait3A_157 = tpu.memref_slice %arg10[%dma_wait3A_155] : memref<3x!tpu.dma_semaphore, #tpu.memory_space<semaphore_mem>> -> memref<1x!tpu.dma_semaphore, #tpu.memory_space<semaphore_mem>>
        %dma_wait3A_158 = tpu.memref_squeeze %dma_wait3A_157 : memref<1x!tpu.dma_semaphore, #tpu.memory_space<semaphore_mem>> -> memref<!tpu.dma_semaphore, #tpu.memory_space<semaphore_mem>>
        %dma_wait3A_159 = tpu.memref_slice %arg4[%add3A_154] : memref<6400000xf32, #tpu.memory_space<hbm>> -> memref<8000xf32, #tpu.memory_space<hbm>>
        tpu.wait_dma2 semaphore(%dma_wait3A_158 : memref<!tpu.dma_semaphore, #tpu.memory_space<semaphore_mem>>) src(%arg7 : memref<8000xf32, #tpu.memory_space<vmem>>) dst(%dma_wait3A_159 : memref<8000xf32, #tpu.memory_space<hbm>>)
      } else {
      }
      %add3A_135 = arith.constant 2 : i32
      %add3A_136 = arith.addi %add3A_118, %add3A_135 : i32
      %lt3A_137 = arith.constant 25 : i32
      %lt3A_138 = arith.cmpi slt, %add3A_136, %lt3A_137 : i32
      %convert_element_type3A_139 = arith.extui %lt3A_138 : i1 to i32
      %cond3A_140 = arith.constant 0 : i32
      %cond3A_141 = arith.cmpi ne, %convert_element_type3A_139, %cond3A_140 : i32
      scf.if %cond3A_141 {
        %add3A_151 = arith.constant 2 : i32
        %add3A_152 = arith.addi %add3A_118, %add3A_151 : i32
        %mul3A_153 = arith.constant 8000 : i32
        %mul3A_154 = arith.muli %add3A_152, %mul3A_153 : i32
        %add3A_155 = arith.addi %mul3A_2, %mul3A_154 : i32
        %dma_start3A_156 = arith.constant 1 : i32
        %dma_start3A_157 = tpu.memref_slice %arg2[%add3A_155] : memref<6400000xf32, #tpu.memory_space<hbm>> -> memref<8000xf32, #tpu.memory_space<hbm>>
        %dma_start3A_158 = tpu.memref_slice %arg9[%dma_start3A_156] : memref<3x!tpu.dma_semaphore, #tpu.memory_space<semaphore_mem>> -> memref<1x!tpu.dma_semaphore, #tpu.memory_space<semaphore_mem>>
        %dma_start3A_159 = tpu.memref_squeeze %dma_start3A_158 : memref<1x!tpu.dma_semaphore, #tpu.memory_space<semaphore_mem>> -> memref<!tpu.dma_semaphore, #tpu.memory_space<semaphore_mem>>
        %dma_start3A_160 = tpu.memref_slice %arg2[%add3A_155] : memref<6400000xf32, #tpu.memory_space<hbm>> -> memref<8000xf32, #tpu.memory_space<hbm>>
        tpu.enqueue_dma source(%dma_start3A_160 : memref<8000xf32, #tpu.memory_space<hbm>>) target(%arg7 : memref<8000xf32, #tpu.memory_space<vmem>>) target_semaphore(%dma_start3A_159 : memref<!tpu.dma_semaphore, #tpu.memory_space<semaphore_mem>>)
      } else {
      }
      %mul3A_142 = arith.constant 8000 : i32
      %mul3A_143 = arith.muli %add3A_118, %mul3A_142 : i32
      %add3A_144 = arith.addi %mul3A_2, %mul3A_143 : i32
      %dma_start3A_145 = arith.constant 2 : i32
      %dma_start3A_146 = tpu.memref_slice %arg4[%add3A_144] : memref<6400000xf32, #tpu.memory_space<hbm>> -> memref<8000xf32, #tpu.memory_space<hbm>>
      %dma_start3A_147 = tpu.memref_slice %arg10[%dma_start3A_145] : memref<3x!tpu.dma_semaphore, #tpu.memory_space<semaphore_mem>> -> memref<1x!tpu.dma_semaphore, #tpu.memory_space<semaphore_mem>>
      %dma_start3A_148 = tpu.memref_squeeze %dma_start3A_147 : memref<1x!tpu.dma_semaphore, #tpu.memory_space<semaphore_mem>> -> memref<!tpu.dma_semaphore, #tpu.memory_space<semaphore_mem>>
      %dma_start3A_149 = tpu.memref_slice %arg4[%add3A_144] : memref<6400000xf32, #tpu.memory_space<hbm>> -> memref<8000xf32, #tpu.memory_space<hbm>>
      tpu.enqueue_dma source(%arg8 : memref<8000xf32, #tpu.memory_space<vmem>>) target(%dma_start3A_149 : memref<8000xf32, #tpu.memory_space<hbm>>) target_semaphore(%dma_start3A_148 : memref<!tpu.dma_semaphore, #tpu.memory_space<semaphore_mem>>)
      %scan3A_150 = arith.constant 0 : i32
      scf.yield %scan3A_150 : i32
    }
    %scan3A_21 = arith.constant 8 : i32
    %add3A_22 = arith.constant 192000 : i32
    %add3A_23 = arith.addi %mul3A_2, %add3A_22 : i32
    %dma_wait3A = arith.constant 0 : i32
    %dma_wait3A_24 = tpu.memref_slice %arg2[%add3A_23] : memref<6400000xf32, #tpu.memory_space<hbm>> -> memref<8000xf32, #tpu.memory_space<hbm>>
    %dma_wait3A_25 = tpu.memref_slice %arg9[%dma_wait3A] : memref<3x!tpu.dma_semaphore, #tpu.memory_space<semaphore_mem>> -> memref<1x!tpu.dma_semaphore, #tpu.memory_space<semaphore_mem>>
    %dma_wait3A_26 = tpu.memref_squeeze %dma_wait3A_25 : memref<1x!tpu.dma_semaphore, #tpu.memory_space<semaphore_mem>> -> memref<!tpu.dma_semaphore, #tpu.memory_space<semaphore_mem>>
    %dma_wait3A_27 = tpu.memref_slice %arg2[%add3A_23] : memref<6400000xf32, #tpu.memory_space<hbm>> -> memref<8000xf32, #tpu.memory_space<hbm>>
    tpu.wait_dma2 semaphore(%dma_wait3A_26 : memref<!tpu.dma_semaphore, #tpu.memory_space<semaphore_mem>>) src(%dma_wait3A_27 : memref<8000xf32, #tpu.memory_space<hbm>>) dst(%arg6 : memref<8000xf32, #tpu.memory_space<vmem>>)
    %parallel_loop3A = arith.constant 0 : i32
    %parallel_loop3A_28 = arith.constant 500 : i32
    %parallel_loop3A_29 = arith.constant 1 : i32
    scf.for %parallel_loop3A_51 = %parallel_loop3A to %parallel_loop3A_28 step %parallel_loop3A_29  : i32 {
      %parallel_loop3A_52 = arith.constant 16 : i32
      %parallel_loop3A_53 = arith.muli %parallel_loop3A_51, %parallel_loop3A_52 : i32
      %parallel_loop3A_54 = arith.index_cast %parallel_loop3A_53 : i32 to index
      %parallel_loop3A_55 = tpu.vector_load %arg6[%parallel_loop3A_54] {strides = array<i32>} : memref<8000xf32, #tpu.memory_space<vmem>>, vector<16xf32>,
      %parallel_loop3A_56 = vector.bitcast %parallel_loop3A_55 : vector<16xf32> to vector<16xi32>
      %parallel_loop3A_57 = tpu.vector_load_idx %arg5[%parallel_loop3A_56] : memref<102400xf32, #tpu.memory_space<vmem>>[vector<16xi32>], vector<16xf32>,
      %parallel_loop3A_58 = arith.index_cast %parallel_loop3A_53 : i32 to index
      %parallel_loop3A_59 = tpu.vector_load %arg6[%parallel_loop3A_58] {strides = array<i32>} : memref<8000xf32, #tpu.memory_space<vmem>>, vector<16xf32>,
      tpu.vector_store %arg6[%parallel_loop3A_58], %parallel_loop3A_57 {strides = array<i32>} : memref<8000xf32, #tpu.memory_space<vmem>>, vector<16xf32>,
    } {sc.loop_unroll_factor = 8 : i64, sc.parallel_access}
    %add3A_30 = arith.constant 184000 : i32
    %add3A_31 = arith.addi %mul3A_2, %add3A_30 : i32
    %dma_wait3A_32 = arith.constant 2 : i32
    %dma_wait3A_33 = tpu.memref_slice %arg4[%add3A_31] : memref<6400000xf32, #tpu.memory_space<hbm>> -> memref<8000xf32, #tpu.memory_space<hbm>>
    %dma_wait3A_34 = tpu.memref_slice %arg10[%dma_wait3A_32] : memref<3x!tpu.dma_semaphore, #tpu.memory_space<semaphore_mem>> -> memref<1x!tpu.dma_semaphore, #tpu.memory_space<semaphore_mem>>
    %dma_wait3A_35 = tpu.memref_squeeze %dma_wait3A_34 : memref<1x!tpu.dma_semaphore, #tpu.memory_space<semaphore_mem>> -> memref<!tpu.dma_semaphore, #tpu.memory_space<semaphore_mem>>
    %dma_wait3A_36 = tpu.memref_slice %arg4[%add3A_31] : memref<6400000xf32, #tpu.memory_space<hbm>> -> memref<8000xf32, #tpu.memory_space<hbm>>
    tpu.wait_dma2 semaphore(%dma_wait3A_35 : memref<!tpu.dma_semaphore, #tpu.memory_space<semaphore_mem>>) src(%arg8 : memref<8000xf32, #tpu.memory_space<vmem>>) dst(%dma_wait3A_36 : memref<8000xf32, #tpu.memory_space<hbm>>)
    %add3A_37 = arith.constant 192000 : i32
    %add3A_38 = arith.addi %mul3A_2, %add3A_37 : i32
    %dma_start3A_39 = arith.constant 0 : i32
    %dma_start3A_40 = tpu.memref_slice %arg4[%add3A_38] : memref<6400000xf32, #tpu.memory_space<hbm>> -> memref<8000xf32, #tpu.memory_space<hbm>>
    %dma_start3A_41 = tpu.memref_slice %arg10[%dma_start3A_39] : memref<3x!tpu.dma_semaphore, #tpu.memory_space<semaphore_mem>> -> memref<1x!tpu.dma_semaphore, #tpu.memory_space<semaphore_mem>>
    %dma_start3A_42 = tpu.memref_squeeze %dma_start3A_41 : memref<1x!tpu.dma_semaphore, #tpu.memory_space<semaphore_mem>> -> memref<!tpu.dma_semaphore, #tpu.memory_space<semaphore_mem>>
    %dma_start3A_43 = tpu.memref_slice %arg4[%add3A_38] : memref<6400000xf32, #tpu.memory_space<hbm>> -> memref<8000xf32, #tpu.memory_space<hbm>>
    tpu.enqueue_dma source(%arg6 : memref<8000xf32, #tpu.memory_space<vmem>>) target(%dma_start3A_43 : memref<8000xf32, #tpu.memory_space<hbm>>) target_semaphore(%dma_start3A_42 : memref<!tpu.dma_semaphore, #tpu.memory_space<semaphore_mem>>)
    %add3A_44 = arith.constant 192000 : i32
    %add3A_45 = arith.addi %mul3A_2, %add3A_44 : i32
    %dma_wait3A_46 = arith.constant 0 : i32
    %dma_wait3A_47 = tpu.memref_slice %arg4[%add3A_45] : memref<6400000xf32, #tpu.memory_space<hbm>> -> memref<8000xf32, #tpu.memory_space<hbm>>
    %dma_wait3A_48 = tpu.memref_slice %arg10[%dma_wait3A_46] : memref<3x!tpu.dma_semaphore, #tpu.memory_space<semaphore_mem>> -> memref<1x!tpu.dma_semaphore, #tpu.memory_space<semaphore_mem>>
    %dma_wait3A_49 = tpu.memref_squeeze %dma_wait3A_48 : memref<1x!tpu.dma_semaphore, #tpu.memory_space<semaphore_mem>> -> memref<!tpu.dma_semaphore, #tpu.memory_space<semaphore_mem>>
    %dma_wait3A_50 = tpu.memref_slice %arg4[%add3A_45] : memref<6400000xf32, #tpu.memory_space<hbm>> -> memref<8000xf32, #tpu.memory_space<hbm>>
    tpu.wait_dma2 semaphore(%dma_wait3A_49 : memref<!tpu.dma_semaphore, #tpu.memory_space<semaphore_mem>>) src(%arg6 : memref<8000xf32, #tpu.memory_space<vmem>>) dst(%dma_wait3A_50 : memref<8000xf32, #tpu.memory_space<hbm>>)
    return
  }
}

#map = affine_map<(d0, d1) -> (0)>
module attributes {stable_mosaic.version = 14 : i64} {
  func.func @_hist_kernel(%arg0: i32, %arg1: i32, %arg2: memref<6400000xi32, #tpu.memory_space<hbm>>, %arg3: memref<3276800xi32, #tpu.memory_space<hbm>>, %arg4: memref<102400xi32, #tpu.memory_space<vmem>>, %arg5: memref<10000xi32, #tpu.memory_space<vmem>>, %arg6: memref<10000xi32, #tpu.memory_space<vmem>>, %arg7: memref<2x!tpu.dma_semaphore, #tpu.memory_space<semaphore_mem>>) attributes {dimension_semantics = [#tpu.dimension_semantics<core_parallel>, #tpu.dimension_semantics<subcore_parallel>], iteration_bounds = array<i64: 2, 16>, scalar_prefetch = 0 : i64, scratch_operands = 4 : i64, tpu.core_type = #tpu.core_type<sc_vector_subcore>, window_params = [{transform_indices = #map}, {transform_indices = #map}]} {
    %mul3A = arith.constant 2 : i32
    %mul3A_0 = arith.muli %arg1, %mul3A : i32
    %add3A = arith.addi %mul3A_0, %arg0 : i32
    %mul3A_1 = arith.constant 200000 : i32
    %mul3A_2 = arith.muli %add3A, %mul3A_1 : i32
    %add3A_3 = arith.constant 0 : i32
    %add3A_4 = arith.addi %mul3A_2, %add3A_3 : i32
    %dma_start3A = arith.constant 0 : i32
    %dma_start3A_5 = tpu.memref_slice %arg2[%add3A_4] : memref<6400000xi32, #tpu.memory_space<hbm>> -> memref<10000xi32, #tpu.memory_space<hbm>>
    %dma_start3A_6 = tpu.memref_slice %arg7[%dma_start3A] : memref<2x!tpu.dma_semaphore, #tpu.memory_space<semaphore_mem>> -> memref<1x!tpu.dma_semaphore, #tpu.memory_space<semaphore_mem>>
    %dma_start3A_7 = tpu.memref_squeeze %dma_start3A_6 : memref<1x!tpu.dma_semaphore, #tpu.memory_space<semaphore_mem>> -> memref<!tpu.dma_semaphore, #tpu.memory_space<semaphore_mem>>
    %dma_start3A_8 = tpu.memref_slice %arg2[%add3A_4] : memref<6400000xi32, #tpu.memory_space<hbm>> -> memref<10000xi32, #tpu.memory_space<hbm>>
    tpu.enqueue_dma source(%dma_start3A_8 : memref<10000xi32, #tpu.memory_space<hbm>>) target(%arg5 : memref<10000xi32, #tpu.memory_space<vmem>>) target_semaphore(%dma_start3A_7 : memref<!tpu.dma_semaphore, #tpu.memory_space<semaphore_mem>>)
    %add3A_9 = arith.constant 10000 : i32
    %add3A_10 = arith.addi %mul3A_2, %add3A_9 : i32
    %dma_start3A_11 = arith.constant 1 : i32
    %dma_start3A_12 = tpu.memref_slice %arg2[%add3A_10] : memref<6400000xi32, #tpu.memory_space<hbm>> -> memref<10000xi32, #tpu.memory_space<hbm>>
    %dma_start3A_13 = tpu.memref_slice %arg7[%dma_start3A_11] : memref<2x!tpu.dma_semaphore, #tpu.memory_space<semaphore_mem>> -> memref<1x!tpu.dma_semaphore, #tpu.memory_space<semaphore_mem>>
    %dma_start3A_14 = tpu.memref_squeeze %dma_start3A_13 : memref<1x!tpu.dma_semaphore, #tpu.memory_space<semaphore_mem>> -> memref<!tpu.dma_semaphore, #tpu.memory_space<semaphore_mem>>
    %dma_start3A_15 = tpu.memref_slice %arg2[%add3A_10] : memref<6400000xi32, #tpu.memory_space<hbm>> -> memref<10000xi32, #tpu.memory_space<hbm>>
    tpu.enqueue_dma source(%dma_start3A_15 : memref<10000xi32, #tpu.memory_space<hbm>>) target(%arg6 : memref<10000xi32, #tpu.memory_space<vmem>>) target_semaphore(%dma_start3A_14 : memref<!tpu.dma_semaphore, #tpu.memory_space<semaphore_mem>>)
    %parallel_loop3A = arith.constant 0 : i32
    %parallel_loop3A_16 = arith.constant 6400 : i32
    %parallel_loop3A_17 = arith.constant 1 : i32
    scf.for %parallel_loop3A_26 = %parallel_loop3A to %parallel_loop3A_16 step %parallel_loop3A_17  : i32 {
      %parallel_loop3A_27 = arith.constant 0 : i32
      %parallel_loop3A_28 = vector.broadcast %parallel_loop3A_27 : i32 to vector<16xi32>
      %parallel_loop3A_29 = arith.constant 16 : i32
      %parallel_loop3A_30 = arith.muli %parallel_loop3A_26, %parallel_loop3A_29 : i32
      %parallel_loop3A_31 = arith.index_cast %parallel_loop3A_30 : i32 to index
      %parallel_loop3A_32 = tpu.vector_load %arg4[%parallel_loop3A_31] {strides = array<i32>} : memref<102400xi32, #tpu.memory_space<vmem>>, vector<16xi32>,
      tpu.vector_store %arg4[%parallel_loop3A_31], %parallel_loop3A_28 {strides = array<i32>} : memref<102400xi32, #tpu.memory_space<vmem>>, vector<16xi32>,
    } {sc.loop_unroll_factor = 8 : i64, sc.parallel_access}
    %scan3A = arith.constant 0 : i32
    %scan3A_18 = arith.constant 0 : i32
    %scan3A_19 = arith.constant 10 : i32
    %scan3A_20 = arith.addi %scan3A_18, %scan3A_19 : i32
    %scan3A_21 = arith.constant 1 : i32
    %scan3A_22 = scf.for %scan3A_26 = %scan3A_18 to %scan3A_20 step %scan3A_21 iter_args(%scan3A_27 = %scan3A) -> (i32)  : i32 {
      %mul3A_28 = arith.constant 2 : i32
      %mul3A_29 = arith.muli %scan3A_26, %mul3A_28 : i32
      %add3A_30 = arith.constant 0 : i32
      %add3A_31 = arith.addi %mul3A_29, %add3A_30 : i32
      %mul3A_32 = arith.constant 10000 : i32
      %mul3A_33 = arith.muli %add3A_31, %mul3A_32 : i32
      %add3A_34 = arith.addi %mul3A_2, %mul3A_33 : i32
      %dma_wait3A = arith.constant 0 : i32
      %dma_wait3A_35 = tpu.memref_slice %arg2[%add3A_34] : memref<6400000xi32, #tpu.memory_space<hbm>> -> memref<10000xi32, #tpu.memory_space<hbm>>
      %dma_wait3A_36 = tpu.memref_slice %arg7[%dma_wait3A] : memref<2x!tpu.dma_semaphore, #tpu.memory_space<semaphore_mem>> -> memref<1x!tpu.dma_semaphore, #tpu.memory_space<semaphore_mem>>
      %dma_wait3A_37 = tpu.memref_squeeze %dma_wait3A_36 : memref<1x!tpu.dma_semaphore, #tpu.memory_space<semaphore_mem>> -> memref<!tpu.dma_semaphore, #tpu.memory_space<semaphore_mem>>
      %dma_wait3A_38 = tpu.memref_slice %arg2[%add3A_34] : memref<6400000xi32, #tpu.memory_space<hbm>> -> memref<10000xi32, #tpu.memory_space<hbm>>
      tpu.wait_dma2 semaphore(%dma_wait3A_37 : memref<!tpu.dma_semaphore, #tpu.memory_space<semaphore_mem>>) src(%dma_wait3A_38 : memref<10000xi32, #tpu.memory_space<hbm>>) dst(%arg5 : memref<10000xi32, #tpu.memory_space<vmem>>)
      %parallel_loop3A_39 = arith.constant 0 : i32
      %parallel_loop3A_40 = arith.constant 625 : i32
      %parallel_loop3A_41 = arith.constant 1 : i32
      scf.for %parallel_loop3A_67 = %parallel_loop3A_39 to %parallel_loop3A_40 step %parallel_loop3A_41  : i32 {
        %parallel_loop3A_68 = arith.constant 16 : i32
        %parallel_loop3A_69 = arith.muli %parallel_loop3A_67, %parallel_loop3A_68 : i32
        %parallel_loop3A_70 = arith.index_cast %parallel_loop3A_69 : i32 to index
        %parallel_loop3A_71 = tpu.vector_load %arg5[%parallel_loop3A_70] {strides = array<i32>} : memref<10000xi32, #tpu.memory_space<vmem>>, vector<16xi32>,
        %parallel_loop3A_72 = arith.constant true
        %parallel_loop3A_73 = vector.broadcast %parallel_loop3A_72 : i1 to vector<16xi1>
        %parallel_loop3A_74, %parallel_loop3A_75 = tpu.scan_count mask(%parallel_loop3A_73 : vector<16xi1>) value(%parallel_loop3A_71 : vector<16xi32>) : vector<16xi1>, vector<16xi32>
        tpu.vector_store_idx %arg4[%parallel_loop3A_71], %parallel_loop3A_75 masked %parallel_loop3A_74 {add = true} : memref<102400xi32, #tpu.memory_space<vmem>>[vector<16xi32>], vector<16xi32>, vector<16xi1>
      } {sc.loop_unroll_factor = 8 : i64, sc.parallel_access}
      %add3A_42 = arith.constant 2 : i32
      %add3A_43 = arith.addi %add3A_31, %add3A_42 : i32
      %lt3A = arith.constant 20 : i32
      %lt3A_44 = arith.cmpi slt, %add3A_43, %lt3A : i32
      %convert_element_type3A = arith.extui %lt3A_44 : i1 to i32
      %cond3A = arith.constant 0 : i32
      %cond3A_45 = arith.cmpi ne, %convert_element_type3A, %cond3A : i32
      scf.if %cond3A_45 {
        %add3A_67 = arith.constant 2 : i32
        %add3A_68 = arith.addi %add3A_31, %add3A_67 : i32
        %mul3A_69 = arith.constant 10000 : i32
        %mul3A_70 = arith.muli %add3A_68, %mul3A_69 : i32
        %add3A_71 = arith.addi %mul3A_2, %mul3A_70 : i32
        %dma_start3A_72 = arith.constant 0 : i32
        %dma_start3A_73 = tpu.memref_slice %arg2[%add3A_71] : memref<6400000xi32, #tpu.memory_space<hbm>> -> memref<10000xi32, #tpu.memory_space<hbm>>
        %dma_start3A_74 = tpu.memref_slice %arg7[%dma_start3A_72] : memref<2x!tpu.dma_semaphore, #tpu.memory_space<semaphore_mem>> -> memref<1x!tpu.dma_semaphore, #tpu.memory_space<semaphore_mem>>
        %dma_start3A_75 = tpu.memref_squeeze %dma_start3A_74 : memref<1x!tpu.dma_semaphore, #tpu.memory_space<semaphore_mem>> -> memref<!tpu.dma_semaphore, #tpu.memory_space<semaphore_mem>>
        %dma_start3A_76 = tpu.memref_slice %arg2[%add3A_71] : memref<6400000xi32, #tpu.memory_space<hbm>> -> memref<10000xi32, #tpu.memory_space<hbm>>
        tpu.enqueue_dma source(%dma_start3A_76 : memref<10000xi32, #tpu.memory_space<hbm>>) target(%arg5 : memref<10000xi32, #tpu.memory_space<vmem>>) target_semaphore(%dma_start3A_75 : memref<!tpu.dma_semaphore, #tpu.memory_space<semaphore_mem>>)
      } else {
      }
      %add3A_46 = arith.constant 1 : i32
      %add3A_47 = arith.addi %mul3A_29, %add3A_46 : i32
      %mul3A_48 = arith.constant 10000 : i32
      %mul3A_49 = arith.muli %add3A_47, %mul3A_48 : i32
      %add3A_50 = arith.addi %mul3A_2, %mul3A_49 : i32
      %dma_wait3A_51 = arith.constant 1 : i32
      %dma_wait3A_52 = tpu.memref_slice %arg2[%add3A_50] : memref<6400000xi32, #tpu.memory_space<hbm>> -> memref<10000xi32, #tpu.memory_space<hbm>>
      %dma_wait3A_53 = tpu.memref_slice %arg7[%dma_wait3A_51] : memref<2x!tpu.dma_semaphore, #tpu.memory_space<semaphore_mem>> -> memref<1x!tpu.dma_semaphore, #tpu.memory_space<semaphore_mem>>
      %dma_wait3A_54 = tpu.memref_squeeze %dma_wait3A_53 : memref<1x!tpu.dma_semaphore, #tpu.memory_space<semaphore_mem>> -> memref<!tpu.dma_semaphore, #tpu.memory_space<semaphore_mem>>
      %dma_wait3A_55 = tpu.memref_slice %arg2[%add3A_50] : memref<6400000xi32, #tpu.memory_space<hbm>> -> memref<10000xi32, #tpu.memory_space<hbm>>
      tpu.wait_dma2 semaphore(%dma_wait3A_54 : memref<!tpu.dma_semaphore, #tpu.memory_space<semaphore_mem>>) src(%dma_wait3A_55 : memref<10000xi32, #tpu.memory_space<hbm>>) dst(%arg6 : memref<10000xi32, #tpu.memory_space<vmem>>)
      %parallel_loop3A_56 = arith.constant 0 : i32
      %parallel_loop3A_57 = arith.constant 625 : i32
      %parallel_loop3A_58 = arith.constant 1 : i32
      scf.for %parallel_loop3A_67 = %parallel_loop3A_56 to %parallel_loop3A_57 step %parallel_loop3A_58  : i32 {
        %parallel_loop3A_68 = arith.constant 16 : i32
        %parallel_loop3A_69 = arith.muli %parallel_loop3A_67, %parallel_loop3A_68 : i32
        %parallel_loop3A_70 = arith.index_cast %parallel_loop3A_69 : i32 to index
        %parallel_loop3A_71 = tpu.vector_load %arg6[%parallel_loop3A_70] {strides = array<i32>} : memref<10000xi32, #tpu.memory_space<vmem>>, vector<16xi32>,
        %parallel_loop3A_72 = arith.constant true
        %parallel_loop3A_73 = vector.broadcast %parallel_loop3A_72 : i1 to vector<16xi1>
        %parallel_loop3A_74, %parallel_loop3A_75 = tpu.scan_count mask(%parallel_loop3A_73 : vector<16xi1>) value(%parallel_loop3A_71 : vector<16xi32>) : vector<16xi1>, vector<16xi32>
        tpu.vector_store_idx %arg4[%parallel_loop3A_71], %parallel_loop3A_75 masked %parallel_loop3A_74 {add = true} : memref<102400xi32, #tpu.memory_space<vmem>>[vector<16xi32>], vector<16xi32>, vector<16xi1>
      } {sc.loop_unroll_factor = 8 : i64, sc.parallel_access}
      %add3A_59 = arith.constant 2 : i32
      %add3A_60 = arith.addi %add3A_47, %add3A_59 : i32
      %lt3A_61 = arith.constant 20 : i32
      %lt3A_62 = arith.cmpi slt, %add3A_60, %lt3A_61 : i32
      %convert_element_type3A_63 = arith.extui %lt3A_62 : i1 to i32
      %cond3A_64 = arith.constant 0 : i32
      %cond3A_65 = arith.cmpi ne, %convert_element_type3A_63, %cond3A_64 : i32
      scf.if %cond3A_65 {
        %add3A_67 = arith.constant 2 : i32
        %add3A_68 = arith.addi %add3A_47, %add3A_67 : i32
        %mul3A_69 = arith.constant 10000 : i32
        %mul3A_70 = arith.muli %add3A_68, %mul3A_69 : i32
        %add3A_71 = arith.addi %mul3A_2, %mul3A_70 : i32
        %dma_start3A_72 = arith.constant 1 : i32
        %dma_start3A_73 = tpu.memref_slice %arg2[%add3A_71] : memref<6400000xi32, #tpu.memory_space<hbm>> -> memref<10000xi32, #tpu.memory_space<hbm>>
        %dma_start3A_74 = tpu.memref_slice %arg7[%dma_start3A_72] : memref<2x!tpu.dma_semaphore, #tpu.memory_space<semaphore_mem>> -> memref<1x!tpu.dma_semaphore, #tpu.memory_space<semaphore_mem>>
        %dma_start3A_75 = tpu.memref_squeeze %dma_start3A_74 : memref<1x!tpu.dma_semaphore, #tpu.memory_space<semaphore_mem>> -> memref<!tpu.dma_semaphore, #tpu.memory_space<semaphore_mem>>
        %dma_start3A_76 = tpu.memref_slice %arg2[%add3A_71] : memref<6400000xi32, #tpu.memory_space<hbm>> -> memref<10000xi32, #tpu.memory_space<hbm>>
        tpu.enqueue_dma source(%dma_start3A_76 : memref<10000xi32, #tpu.memory_space<hbm>>) target(%arg6 : memref<10000xi32, #tpu.memory_space<vmem>>) target_semaphore(%dma_start3A_75 : memref<!tpu.dma_semaphore, #tpu.memory_space<semaphore_mem>>)
      } else {
      }
      %scan3A_66 = arith.constant 0 : i32
      scf.yield %scan3A_66 : i32
    }
    %scan3A_23 = arith.constant 10 : i32
    %mul3A_24 = arith.constant 102400 : i32
    %mul3A_25 = arith.muli %add3A, %mul3A_24 : i32
    "tpu.region"() ({
      %run_scoped3A = tpu.sem_alloc : memref<!tpu.dma_semaphore, #tpu.memory_space<semaphore_mem>>
      %dma_start3A_26 = tpu.memref_slice %arg3[%mul3A_25] : memref<3276800xi32, #tpu.memory_space<hbm>> -> memref<102400xi32, #tpu.memory_space<hbm>>
      %dma_start3A_27 = tpu.memref_slice %arg3[%mul3A_25] : memref<3276800xi32, #tpu.memory_space<hbm>> -> memref<102400xi32, #tpu.memory_space<hbm>>
      tpu.enqueue_dma source(%arg4 : memref<102400xi32, #tpu.memory_space<vmem>>) target(%dma_start3A_27 : memref<102400xi32, #tpu.memory_space<hbm>>) target_semaphore(%run_scoped3A : memref<!tpu.dma_semaphore, #tpu.memory_space<semaphore_mem>>)
      %dma_wait3A = tpu.memref_slice %arg3[%mul3A_25] : memref<3276800xi32, #tpu.memory_space<hbm>> -> memref<102400xi32, #tpu.memory_space<hbm>>
      %dma_wait3A_28 = tpu.memref_slice %arg3[%mul3A_25] : memref<3276800xi32, #tpu.memory_space<hbm>> -> memref<102400xi32, #tpu.memory_space<hbm>>
      tpu.wait_dma2 semaphore(%run_scoped3A : memref<!tpu.dma_semaphore, #tpu.memory_space<semaphore_mem>>) src(%arg4 : memref<102400xi32, #tpu.memory_space<vmem>>) dst(%dma_wait3A_28 : memref<102400xi32, #tpu.memory_space<hbm>>)
      tpu.yield
    }) : () -> ()
    return
  }
}

module attributes {stable_mosaic.version = 14 : i64} {
  func.func @_reduce_kernel_tc(%arg0: i32, %arg1: memref<32x400x128xi32, #tpu.memory_space<vmem>>, %arg2: memref<400x128xf32, #tpu.memory_space<vmem>>) attributes {dimension_semantics = [#tpu.dimension_semantics<arbitrary>], iteration_bounds = array<i64: 2>, scalar_prefetch = 0 : i64, scratch_operands = 0 : i64, tpu.core_type = #tpu.core_type<tc>, window_params = [{transform_indices = @transform_0, window_bounds = array<i64: 32, 400, 128>}, {transform_indices = @transform_1, window_bounds = array<i64: 400, 128>}]} {
    %get3A = arith.constant 0 : index
    %get3A_0 = arith.constant 0 : index
    %get3A_1 = arith.constant 0 : index
    %get3A_2 = vector.load %arg1[%get3A, %get3A_0, %get3A_1] : memref<32x400x128xi32, #tpu.memory_space<vmem>>, vector<32x400x128xi32>
    %reduce_sum3A = arith.constant dense<0> : vector<400x128xi32>
    %reduce_sum3A_3 = vector.multi_reduction <add>, %get3A_2, %reduce_sum3A [0] : vector<32x400x128xi32> to vector<400x128xi32>
    %convert_element_type3A = arith.sitofp %reduce_sum3A_3 : vector<400x128xi32> to vector<400x128xf32>
    %div3A = arith.constant 1.000000e+00 : f32
    %div3A_4 = vector.broadcast %div3A : f32 to vector<400x128xf32>
    %div3A_5 = arith.divf %div3A_4, %convert_element_type3A : vector<400x128xf32>
    %swap3A = arith.constant 0 : index
    %swap3A_6 = arith.constant 0 : index
    %swap3A_7 = vector.load %arg2[%swap3A, %swap3A_6] : memref<400x128xf32, #tpu.memory_space<vmem>>, vector<400x128xf32>
    tpu.vector_store %arg2[%swap3A, %swap3A_6], %div3A_5 {strides = array<i32>} : memref<400x128xf32, #tpu.memory_space<vmem>>, vector<400x128xf32>,
    return
  }
  func.func @transform_0(%arg0: i32) -> (i32, i32, i32) {
    %c0_i32 = arith.constant 0 : i32
    %c0_i32_0 = arith.constant 0 : i32
    %c0_i32_1 = arith.constant 0 : i32
    return %c0_i32, %arg0, %c0_i32_0 : i32, i32, i32
  }
  func.func @transform_1(%arg0: i32) -> (i32, i32) {
    %c0_i32 = arith.constant 0 : i32
    %c0_i32_0 = arith.constant 0 : i32
    return %arg0, %c0_i32 : i32, i32
  }
}

</mosaic_0001>

<sc_bundles>
// kernel: kernel.5.cloned.1.call-start
scs
__scs_entry_jumppad:
0x0: {  	(pc) =	sbr.rel $0x88, $3  }
0x1: {  	(tag) =	ssettag $0x0;
	lr =	simm.s32 $0x1  }
0x2: {  	[smem:$0x3FA0] =	sst lr;
	_ =	strace $0xD0000000  }
0x3: {  	_ = 	snop  }
0x4: {  	_ = 	snop  }
0x5: {  	_ = 	snop  }
0x6: {  	_ = 	snop  }
0x7: {  	_ = 	snop  }
__scs_overlays_trampoline_lowered:
0x8: {  	[smem:$0x3FAF] =	sst s0  }
0x9: {  	[smem:$0x3FB0] =	sst s1  }
0xa: {  	[smem:$0x3FB1] =	sst s2  }
0xb: {  	[smem:$0x3FB2] =	sst s3  }
0xc: {  	[smem:$0x3FB3] =	sst s4  }
0xd: {  	[smem:$0x3FB4] =	sst s5  }
0xe: {  	[smem:$0x3FB5] =	sst s6  }
0xf: {  	[smem:$0x3FB6] =	sst s7  }
0x10: {  	[smem:$0x3FB7] =	sst s8  }
0x11: {  	[smem:$0x3FB8] =	sst s9;
	s0 =	simm.s32 @!p0 $0x0  }
0x12: {  	s1 =	sld [smem:$0x3F9E];
	s0 =	simm.s32 @p0 $0x1  }
0x13: {  	[smem:$0x3FB9] =	sst s0;
	s0 =	simm.s32 @!p1 $0x0  }
0x14: {  	s2 =	sld [smem:$0x3F9D];
	s0 =	simm.s32 @p1 $0x1  }
0x15: {  	[smem:$0x3FBA] =	sst s0;
	s0 =	simm.s32 @!p2 $0x0  }
0x16: {  	s3 =	sld [smem:$0x3FDB];
	s0 =	simm.s32 @p2 $0x1  }
0x17: {  	s4 =	simm.s32 $0x1BF5;
	[smem:$0x3FBC] =	sst s0  }
0x18: {  	s0 =	sld [smem:$0x3F9F];
	_ =	swait.ge [sflag:s4], $0x0  }
0x19: {  	s7 =	sld [smem:$0x3FA0]  }
0x1a: {  	s8 =	sadd.s32 $0xFFFFE003, lr  }
0x1b: {  	s9 =	sadd.s32 $0xFFFFFEF7, lr;
	s5 =	simm.s32 $0xFFFFFFFF;
	p2 =	slt.u32 s8, $0xFFFFF086  }
0x1c: {  	p1 =	slt.u32 s9, $0xF7A;
	s5 =	simm.s32 @!p2 $0x0  }
0x1d: {  	s5 =	simm.s32 @p1 $0x1;
	p0 =	seq.s32 s7, s2  }
0x1e: {  	s7 =	smul.u32 @!p0 $0xF7A, s2;
	p2 =	seq.s32 @!p0 s5, $0x0  }
0x1f: {  	s9 =	smul.u32 $0xF7A, s1;
	s8 =	simm.s32 @!p0 $0x1BF5;
	p2 =	por !p2, p0  }
0x20: {  	[sflag:s8] =	ssyncset.s32 @!p0 $0xFFFFF086;
	s6 =	sadd.s32 @!p0 s3, s7;
	s7 =	simm.s32 @!p0 $0x108  }
0x21: {  	s3 =	sadd.s32 s3, s9;
	s6 =	sadd.s32 @!p0 $0x88, s6;
	s7 =	simm.s32 @p2 $0x1082  }
0x22: {  	[simem:s7], [sflag:s8] =	dma.local @!p0 [hbm:s6], $0xF7A  }
0x23: {  	s9 =	sor.u32 $0xD0000000, s2;
	s6 =	simm.s32 $0x108;
	_ =	swait.ge @!p0 [sflag:s8], $0x0  }
0x24: {  	s3 =	sadd.s32 $0x88, s3;
	s6 =	simm.s32 @!p1 $0x1082;
	[sflag:s4] =	ssyncset.s32 $0xFFFFF086  }
0x25: {  	[simem:s6], [sflag:s4] =	dma.local [hbm:s3], $0xF7A  }
0x26: {  	[smem:$0x3FA0] =	sst s1;
	(tag) =	ssettag s2;
	_ =	strace s9  }
0x27: {  	s1 =	sld [smem:$0x3FB0]  }
0x28: {  	s2 =	sld [smem:$0x3FB1]  }
0x29: {  	s4 =	sld [smem:$0x3FB3]  }
0x2a: {  	p0 =	seq.s32 s5, $0x0;
	s5 =	sld [smem:$0x3FB4]  }
0x2b: {  	s6 =	sld [smem:$0x3FB5]  }
0x2c: {  	s7 =	sld [smem:$0x3FB6]  }
0x2d: {  	s3 =	simm.s32 $0x108;
	s8 =	sld [smem:$0x3FB7]  }
0x2e: {  	s3 =	simm.s32 @!p0 $0x1082;
	s9 =	sld [smem:$0x3FB8]  }
0x2f: {  	lr =	sadd.s32 s0, s3;
	s0 =	sld [smem:$0x3FAF]  }
0x30: {  	s3 =	sld [smem:$0x3FB2]  }
0x31: {  	[smem:$0x3FBB] =	sst s10  }
0x32: {  	s10 =	sld [smem:$0x3FB9];
	_ =	sdelay $0x3  }
0x33: {  	p0 =	seq.s32 s10, $0x1;
	s10 =	sld [smem:$0x3FBB];
	_ =	sdelay $0x3  }
0x34: {  	[smem:$0x3FBB] =	sst s10  }
0x35: {  	s10 =	sld [smem:$0x3FBA];
	_ =	sdelay $0x3  }
0x36: {  	p1 =	seq.s32 s10, $0x1;
	s10 =	sld [smem:$0x3FBB];
	_ =	sdelay $0x3  }
0x37: {  	[smem:$0x3FBB] =	sst s10  }
0x38: {  	s10 =	sld [smem:$0x3FBC]  }
0x39: {  	_ = 	snop;
	(pc) =	sbr.ind lr, $3  }
0x3a: {  	_ = 	snop  }
0x3b: {  	_ = 	snop  }
0x3c: {  	p2 =	seq.s32 s10, $0x1;
	s10 =	sld [smem:$0x3FBB]  }
0x3d: {  	_ =	shalt  }
0x3e: {  	_ =	shalt  }
0x3f: {  	_ =	shalt  }
0x40: {  	_ =	shalt  }
0x41: {  	_ =	shalt  }
0x42: {  	_ =	shalt  }
0x43: {  	_ =	shalt  }
0x44: {  	_ =	shalt  }
0x45: {  	_ =	shalt  }
0x46: {  	_ =	shalt  }
0x47: {  	_ =	shalt  }
0x48: {  	_ =	shalt  }
0x49: {  	_ =	shalt  }
0x4a: {  	_ =	shalt  }
0x4b: {  	_ =	shalt  }
0x4c: {  	_ =	shalt  }
0x4d: {  	_ =	shalt  }
0x4e: {  	_ =	shalt  }
0x4f: {  	_ =	shalt  }
0x50: {  	_ =	shalt  }
0x51: {  	_ =	shalt  }
0x52: {  	_ =	shalt  }
0x53: {  	_ =	shalt  }
0x54: {  	_ =	shalt  }
0x55: {  	_ =	shalt  }
0x56: {  	_ =	shalt  }
0x57: {  	_ =	shalt  }
0x58: {  	_ =	shalt  }
0x59: {  	_ =	shalt  }
0x5a: {  	_ =	shalt  }
0x5b: {  	_ =	shalt  }
0x5c: {  	_ =	shalt  }
0x5d: {  	_ =	shalt  }
0x5e: {  	_ =	shalt  }
0x5f: {  	_ =	shalt  }
0x60: {  	_ =	shalt  }
0x61: {  	_ =	shalt  }
0x62: {  	_ =	shalt  }
0x63: {  	_ =	shalt  }
0x64: {  	_ =	shalt  }
0x65: {  	_ =	shalt  }
0x66: {  	_ =	shalt  }
0x67: {  	_ =	shalt  }
0x68: {  	_ =	shalt  }
0x69: {  	_ =	shalt  }
0x6a: {  	_ =	shalt  }
0x6b: {  	_ =	shalt  }
0x6c: {  	_ =	shalt  }
0x6d: {  	_ =	shalt  }
0x6e: {  	_ =	shalt  }
0x6f: {  	_ =	shalt  }
0x70: {  	_ =	shalt  }
0x71: {  	_ =	shalt  }
0x72: {  	_ =	shalt  }
0x73: {  	_ =	shalt  }
0x74: {  	_ =	shalt  }
0x75: {  	_ =	shalt  }
0x76: {  	_ =	shalt  }
0x77: {  	_ =	shalt  }
0x78: {  	_ =	shalt  }
0x79: {  	_ =	shalt  }
0x7a: {  	_ =	shalt  }
0x7b: {  	_ =	shalt  }
0x7c: {  	_ =	shalt  }
0x7d: {  	_ =	shalt  }
0x7e: {  	_ =	shalt  }
0x7f: {  	_ =	shalt  }
0x80: {  	_ =	shalt  }
0x81: {  	_ =	shalt  }
0x82: {  	_ =	shalt  }
0x83: {  	_ =	shalt  }
0x84: {  	_ =	shalt  }
0x85: {  	_ =	shalt  }
0x86: {  	_ =	shalt  }
0x87: {  	_ =	shalt  }
.Lfunc_end0:
.L_simem_size_0:
called_computation_lowered:
.L_overlay_start_0:
0x88: {  	s2 =	sld [smem:$0x3FD9]  }
0x89: {  	s3 =	sld [smem:$0x3FFE];
	_ =	sdelay $0x1  }
0x8a: {  	s1 =	srdreg.scid  }
0x8b: {  	s0 =	sand.u32 $0x1, s1  }
0x8c: {  	s18 =	sshll.u32 s0, $0xA;
	s2 =	sadd.s32 s3, s2  }
0x8d: {  	s2 =	sadd.s32 s2, s18  }
0x8e: {  	[smem:$0x3FC7] =	sst s2  }
0x8f: {  	_ = 	snop  }
0x90: {  	s2 =	sld [smem:$0x3FC9]  }
0x91: {  	s19 =	sld [smem:$0x3FD0];
	(tm) =	ssettm $0x1  }
0x92: {  	s4 =	sld [smem:$0x3FFB];
	_ =	sdelay $0x3  }
0x93: {  	_ =	strace s4  }
0x94: {  	s4 =	sld [smem:$0x3FFC];
	_ =	sdelay $0x3  }
0x95: {  	_ =	strace s4  }
0x96: {  	s4 =	sld [smem:$0x3FFD];
	_ =	sdelay $0x3  }
0x97: {  	_ =	strace s4  }
0x98: {  	_ =	strace $0x8FFFFFFF  }
0x99: {  	s20 =	sld [smem:$0x3FDB];
	_ =	sdelay $0x1  }
0x9a: {  	s5 =	simm.s32 $_scs_section_size  }
0x9b: {  	s6 =	simm.s32 $_size__tile_overlayer_lowered;
	s7 =	simm.s32 $_tile_overlayer_lowered  }
0x9c: {  	s23 =	simm.s32 $0x1BFF;
	s22 =	sshll.u32 s7, $0x1;
	s4 =	sadd.s32 s5, s20  }
0x9d: {  	s8 =	simm.s32 $0x0;
	s21 =	sshll.u32 s6, $0x1;
	s6 =	sadd.s32 s22, s4  }
0x9e: {  	[timem:s8], [sflag:s23] =	dma.local [hbm:s6], s21  }
0x9f: {  	_ =	swait.ge [sflag:s23], s21  }
0xa0: {  	s5 =	ssub.s32 $0x0, s21;
	[sflag:s23] =	ssyncset.done $0x0  }
0xa1: {  	[sflag:s23] =	ssyncadd.s32 s5;
	_ =	sdelay $0x1  }
0xa2: {  	s24 =	simm.s32 $0x1B8B  }
0xa3: {  	_ =	swait.ge [sflag:s24], $0x1  }
0xa4: {  	[sflag:s24] =	ssyncset.done $0x0  }
0xa5: {  	s25 =	simm.s32 $0x1B8E;
	[sflag:s24] =	ssyncadd.s32 $0xFFFFFFFF  }
0xa6: {  	s26 =	simm.s32 $execute0_lowered;
	[smem:$0x3FD2] =	sst s25  }
0xa7: {  	s5 =	sshll.u32 s26, $0x1;
	_ =	strace $0x80000046;
	[dreg:$0x1] =	wrdreg $0xFFFFFFFF  }
0xa8: {  	s28 =	simm.s32 $_size_execute0_lowered;
	s4 =	sadd.s32 s4, s5;
	[dreg:$0x0] =	wrdreg $0x0  }
0xa9: {  	s5 =	sshll.u32 s28, $0x1;
	[dreg:$0x2] =	wrdreg s4  }
0xaa: {  	[dreg:$0x3] =	wrdreg s5  }
0xab: {  	[dreg:$0x4] =	wrdreg $0xC0  }
0xac: {  	_ =	task [dreg:s8], $0x5FFFF  }
0xad: {  	[dreg:$0x1] =	wrdreg $0xFFFFFFFF  }
0xae: {  	[dreg:$0x0] =	wrdreg $0x60  }
0xaf: {  	[dreg:$0x2] =	wrdreg s2  }
0xb0: {  	[dreg:$0x3] =	wrdreg s19  }
0xb1: {  	[dreg:$0x4] =	wrdreg $0x9  }
0xb2: {  	_ =	task.clear_ibuf [dreg:s8], $0x5FFFF;
	_ =	strace $0x90000046  }
0xb3: {  	s29 =	simm.s32 $0x9;
	_ =	strace $0x80000048  }
0xb4: {  	_ =	swait.ge [sflag:s29], $0x1  }
0xb5: {  	[sflag:s29] =	ssyncadd.s32 $0xFFFFFFFF  }
0xb6: {  	_ =	strace $0x90000048  }
0xb7: {  	_ =	sfence  }
0xb8: {  	s30 =	sld [smem:$0x0];
	_ =	sdelay $0x2  }
0xb9: {  	s31 =	sshll.u32 s1, $0xD;
	s1 =	sshrl.u32 s1, $0x2  }
0xba: {  	s3 =	sand.u32 $0x4000, s31;
	s1 =	sadd.s32 s1, s30  }
0xbb: {  	s0 =	sor.u32 s3, s0;
	s1 =	sshll.u32 s1, $0x11  }
0xbc: {  	s0 =	sor.u32 s1, s0  }
0xbd: {  	s0 =	sadd.s32 $0x8F2B, s0  }
0xbe: {  	[sflag:s0] =	ssyncadd.remote.s32 $0x1  }
0xbf: {  	_ =	sfence.sel $0xFFFF  }
0xc0: {  	[dreg:$0x0] =	wrdreg $0xFFFFFFFF;
	(pc) =	sbr.abs _section_cstart, $3  }
0xc1: {  	[dreg:$0x1] =	wrdreg $0xFFFFFFFF  }
0xc2: {  	_ =	task.clear_ibuf [dreg:s8], $0x2FFFF;
	_ =	strace $0x9FFFFFFF  }
0xc3: {  	(tm) =	ssettm $0x7FFFFFFF  }
tec
execute0_lowered:
.L_overlay_start_1:
0x0: {  	(tag) =	ssettag $0x1  }
0x1: {  	s1 =	srdreg.scid  }
0x2: {  	s0 =	stileid.u32;
	s2 =	rddreg [dreg:$0x0]  }
0x3: {  	s8 =	rddreg [dreg:$0x1];
	s3 =	simm.s32 $0x0;
	s11 =	simm.s32 $0x1B780  }
0x4: {  	s12 =	simm.s32 $0x1;
	s4 =	sand.u32 $0x1, s1;
	s30 =	sshll.u32 s0, $0x1  }
0x5: {  	s13 =	simm.s32 $0x2;
	s14 =	simm.s32 $0x3;
	s5 =	sor.u32 s4, s30  }
0x6: {  	s15 =	simm.s32 $0x0;
	s1 =	rddreg [dreg:$0x2];
	s7 =	smul.u32 $0x30D40, s5  }
.Ltmp0:
0x7: {  	[smem:$0x7FF] =	sst s3;
	s6 =	ssub.s32 $0x2, s4;
	(pc) =	sbr.rel .LBB2_1-.Ltmp0, $4  }
0x8: {  	_ =	strace $0x80000047;
	s9 =	sshrl.u32 s6, $0x1;
	s10 =	smul.u32 $0x3200, s5  }
0x9: {  	s9 =	ssub.s32 s6, s9;
	s31 =	sshrl.u32 s7, $0x3;
	s6 =	sadd.s32 $0x4E20, s7  }
0xa: {  	s7 =	sadd.s32 $0x7530, s7;
	s8 =	sadd.s32 s8, s10;
	s4 =	sadd.s32 s2, s31  }
0xb: {  	v0 =	vimm.s32 $0x0;
	s9 =	smax.u32 s9, $0x1;
	s10 =	simm.s32 $0x19000;
	s5 =	sadd.s32 $0x4E2, s4  }
.LBB2_10:
0xc: {  	s15 =	sadd.s32 $0x1, s15  }
0xd: {  	p0 =	sne.s32 s15, s9  }
.Ltmp1:
0xe: {  	_ = 	snop;
	(pc) =	sbr.rel @!p0 .LBB2_11-.Ltmp1, $4  }
0xf: {  	[hbm4b:s8+s3] =	stream.linear.scatter [tilespmem:s3], [sflag:$0x3], $0x19000, $0x38;
	[tilespmem:$0x1DF00] =	vst v63  }
0x10: {  	_ =	swait.ge [sflag:s14], $0x19000  }
0x11: {  	[sflag:s14] =	ssyncset.done $0x0  }
0x12: {  	[sflag:s14] =	ssyncadd.s32 $0xFFFE7000  }
.LBB2_1:
0x13: {  	[tilespmem:s10], [sflag:$0x1] =	stream.linear.gather [hbm4b:s4+s3], $0x2710, $0x38;
	[tilespmem:$0x1DF00] =	vst v63  }
0x14: {  	s16 =	simm.s32 $0x40  }
0x15: {  	[tilespmem:s11], [sflag:$0x2] =	stream.linear.gather [hbm4b:s5+s3], $0x2710, $0x38;
	[tilespmem:$0x1DF00] =	vst v63  }
0x16: {  	[tilespmem:s16+$0xFFFFFFC0] =	vst v0  }
0x17: {  	[tilespmem:s16+$0x30] =	vst v0  }
0x18: {  	[tilespmem:s16+$0x20] =	vst v0  }
0x19: {  	[tilespmem:s16+$0x10] =	vst v0  }
0x1a: {  	[tilespmem:s16+$0x0] =	vst v0  }
0x1b: {  	[tilespmem:s16+$0xFFFFFFF0] =	vst v0  }
0x1c: {  	s17 =	simm.s32 $0x0;
	[tilespmem:s16+$0xFFFFFFE0] =	vst v0  }
.LBB2_2:
0x1d: {  	s17 =	sadd.s32 $0x8, s17;
	[tilespmem:s16+$0xFFFFFFD0] =	vst v0;
	s16 =	sadd.s32 $0x80, s16  }
0x1e: {  	[tilespmem:s16+$0xFFFFFFC0] =	vst v0;
	p0 =	slt.u32 s17, $0x18F8  }
0x1f: {  	[tilespmem:s16+$0x30] =	vst v0  }
.Ltmp2:
0x20: {  	[tilespmem:s16+$0x20] =	vst v0;
	(pc) =	sbr.rel @p0 .LBB2_2-.Ltmp2, $4  }
0x21: {  	[tilespmem:s16+$0x10] =	vst v0  }
0x22: {  	[tilespmem:s16+$0x0] =	vst v0  }
0x23: {  	[tilespmem:s16+$0xFFFFFFF0] =	vst v0  }
0x24: {  	[tilespmem:s16+$0xFFFFFFE0] =	vst v0  }
0x25: {  	[tilespmem:s16+$0xFFFFFFD0] =	vst v0;
	s16 =	simm.s32 $0x0  }
.LBB2_4:
0x26: {  	_ =	swait.ge [sflag:s12], $0x2710  }
0x27: {  	[sflag:s12] =	ssyncset.done $0x0  }
0x28: {  	s17 =	simm.s32 $0x19040;
	[sflag:s12] =	ssyncadd.s32 $0xFFFFD8F0  }
0x29: {  	v10 =	vld [tilespmem:s17+$0x30]  }
0x2a: {  	v11 =	vld [tilespmem:s17+$0xFFFFFFD0]  }
0x2b: {  	v12 =	vld [tilespmem:s17+$0xFFFFFFE0]  }
0x2c: {  	v13 =	vld [tilespmem:s17+$0xFFFFFFF0]  }
0x2d: {  	v14 =	vld [tilespmem:s17+$0x0]  }
0x2e: {  	v15 =	vld [tilespmem:s17+$0x10];
	(xrf1) =	vunique.msk.u32 $0xffff, v10  }
0x2f: {  	v16 =	vld [tilespmem:s17+$0x20];
	(xrf1) =	vunique.msk.u32 $0xffff, v11  }
0x30: {  	(xrf1) =	vunique.msk.u32 $0xffff, v12  }
0x31: {  	(xrf1) =	vunique.msk.u32 $0xffff, v13  }
0x32: {  	(xrf1) =	vunique.msk.u32 $0xffff, v14  }
0x33: {  	(xrf1) =	vunique.msk.u32 $0xffff, v15  }
0x34: {  	(xrf1) =	vunique.msk.u32 $0xffff, v16  }
0x35: {  	v1 =	vld [tilespmem:s17+$0xFFFFFFC0];
	_ =	sdelay $0x2  }
0x36: {  	s31 =	simm.s32 $0x190C0  }
0x37: {  	v6 =	vld [tilespmem:s31+$0x30]  }
0x38: {  	v4 =	vld [tilespmem:s31+$0xFFFFFFD0];
	(xrf1) =	vunique.msk.u32 $0xffff, v1  }
0x39: {  	v2 =	vld [tilespmem:s31+$0xFFFFFFE0]  }
0x3a: {  	v3 =	vld [tilespmem:s31+$0xFFFFFFF0];
	_, v17, vm0 =	vpop (xrf1)  }
0x3b: {  	v5 =	vld [tilespmem:s31+$0x0];
	_, v18, vm1 =	vpop (xrf1)  }
0x3c: {  	v7 =	vld [tilespmem:s31+$0x10];
	(xrf1) =	vunique.msk.u32 $0xffff, v6;
	_, v19, vm2 =	vpop (xrf1)  }
0x3d: {  	v8 =	vld [tilespmem:s31+$0x20];
	(xrf1) =	vunique.msk.u32 $0xffff, v4;
	_, v20, vm3 =	vpop (xrf1)  }
0x3e: {  	v9 =	vld [tilespmem:s31+$0xFFFFFFC0];
	(xrf1) =	vunique.msk.u32 $0xffff, v2;
	_, v21, vm4 =	vpop (xrf1)  }
0x3f: {  	(xrf1) =	vunique.msk.u32 $0xffff, v3;
	_, v22, vm5 =	vpop (xrf1)  }
0x40: {  	(xrf1) =	vunique.msk.u32 $0xffff, v5;
	[tilespmem:v10+s3+$0x0] =	vst.idx.add.s32.msk vm0, v17;
	_, v63, vm6 =	vpop (xrf1)  }
0x41: {  	(xrf1) =	vunique.msk.u32 $0xffff, v7;
	[tilespmem:v11+s3+$0x0] =	vst.idx.add.s32.msk vm1, v18  }
0x42: {  	(xrf1) =	vunique.msk.u32 $0xffff, v8;
	[tilespmem:v12+s3+$0x0] =	vst.idx.add.s32.msk vm2, v19  }
0x43: {  	(xrf1) =	vunique.msk.u32 $0xffff, v9;
	[tilespmem:v13+s3+$0x0] =	vst.idx.add.s32.msk vm3, v20  }
0x44: {  	[tilespmem:v14+s3+$0x0] =	vst.idx.add.s32.msk vm4, v21  }
0x45: {  	[tilespmem:v15+s3+$0x0] =	vst.idx.add.s32.msk vm5, v22  }
0x46: {  	s18 =	simm.s32 $0x19140;
	s17 =	simm.s32 $0x8;
	_, v10, vm0 =	vpop (xrf1);
	[tilespmem:v16+s3+$0x0] =	vst.idx.add.s32.msk vm6, v63  }
.LBB2_5:
0x47: {  	v11 =	vld [tilespmem:s18+$0x30];
	s17 =	sadd.s32 $0x8, s17  }
0x48: {  	v12 =	vld [tilespmem:s18+$0xFFFFFFD0];
	p0 =	slt.u32 s17, $0x268  }
0x49: {  	v13 =	vld [tilespmem:s18+$0xFFFFFFE0]  }
0x4a: {  	v14 =	vld [tilespmem:s18+$0xFFFFFFF0];
	_, v15, vm1 =	vpop (xrf1)  }
0x4b: {  	v16 =	vld [tilespmem:s18+$0x0];
	_, v17, vm2 =	vpop (xrf1)  }
0x4c: {  	v18 =	vld [tilespmem:s18+$0x10];
	(xrf1) =	vunique.msk.u32 $0xffff, v11;
	_, v19, vm3 =	vpop (xrf1)  }
0x4d: {  	v20 =	vld [tilespmem:s18+$0x20];
	(xrf1) =	vunique.msk.u32 $0xffff, v12;
	_, v21, vm4 =	vpop (xrf1)  }
0x4e: {  	v22 =	vld [tilespmem:s18+$0xFFFFFFC0];
	(xrf1) =	vunique.msk.u32 $0xffff, v13;
	_, v23, vm5 =	vpop (xrf1)  }
0x4f: {  	(xrf1) =	vunique.msk.u32 $0xffff, v14;
	_, v24, vm6 =	vpop (xrf1);
	[tilespmem:v1+s3+$0x0] =	vst.idx.add.s32.msk vm0, v10;
	v1 =	vmov v9  }
0x50: {  	(xrf1) =	vunique.msk.u32 $0xffff, v16;
	[tilespmem:v6+s3+$0x0] =	vst.idx.add.s32.msk vm1, v15;
	_, v15, vm1 =	vpop (xrf1);
	v6 =	vmov v11  }
0x51: {  	(xrf1) =	vunique.msk.u32 $0xffff, v18;
	[tilespmem:v4+s3+$0x0] =	vst.idx.add.s32.msk vm2, v17;
	_, v10, vm0 =	vpop (xrf1);
	v4 =	vmov v12  }
.Ltmp3:
0x52: {  	(xrf1) =	vunique.msk.u32 $0xffff, v20;
	[tilespmem:v2+s3+$0x0] =	vst.idx.add.s32.msk vm3, v19;
	v2 =	vmov v13;
	(pc) =	sbr.rel @p0 .LBB2_5-.Ltmp3, $4  }
0x53: {  	(xrf1) =	vunique.msk.u32 $0xffff, v22;
	[tilespmem:v3+s3+$0x0] =	vst.idx.add.s32.msk vm4, v21;
	v3 =	vmov v14;
	v9 =	vmov v22  }
0x54: {  	[tilespmem:v5+s3+$0x0] =	vst.idx.add.s32.msk vm5, v23;
	v5 =	vmov v16  }
0x55: {  	[tilespmem:v7+s3+$0x0] =	vst.idx.add.s32.msk vm6, v24;
	v7 =	vmov v18  }
0x56: {  	s18 =	sadd.s32 $0x80, s18;
	[tilespmem:v8+s3+$0x0] =	vst.idx.add.s32.msk vm1, v15;
	v8 =	vmov v20  }
0x57: {  	_ =	sdelay $0x2  }
0x58: {  	_, v11, vm1 =	vpop (xrf1)  }
0x59: {  	_, v12, vm2 =	vpop (xrf1)  }
0x5a: {  	_, v13, vm3 =	vpop (xrf1)  }
0x5b: {  	_, v14, vm4 =	vpop (xrf1)  }
0x5c: {  	_, v15, vm5 =	vpop (xrf1)  }
0x5d: {  	[tilespmem:v1+s3+$0x0] =	vst.idx.add.s32.msk vm0, v10;
	_, v16, vm6 =	vpop (xrf1)  }
0x5e: {  	[tilespmem:v6+s3+$0x0] =	vst.idx.add.s32.msk vm1, v11;
	_, v1, vm0 =	vpop (xrf1)  }
0x5f: {  	[tilespmem:v4+s3+$0x0] =	vst.idx.add.s32.msk vm2, v12;
	_, v4, vm1 =	vpop (xrf1)  }
0x60: {  	[tilespmem:v2+s3+$0x0] =	vst.idx.add.s32.msk vm3, v13  }
0x61: {  	[tilespmem:v3+s3+$0x0] =	vst.idx.add.s32.msk vm4, v14  }
0x62: {  	[tilespmem:v5+s3+$0x0] =	vst.idx.add.s32.msk vm5, v15  }
0x63: {  	[tilespmem:v7+s3+$0x0] =	vst.idx.add.s32.msk vm6, v16  }
0x64: {  	[tilespmem:v8+s3+$0x0] =	vst.idx.add.s32.msk vm0, v1  }
0x65: {  	[tilespmem:v9+s3+$0x0] =	vst.idx.add.s32.msk vm1, v4  }
0x66: {  	v1 =	vld [tilespmem:$0x1B700];
	_ =	sdelay $0x4  }
0x67: {  	(xrf1) =	vunique.msk.u32 $0xffff, v1;
	_ =	sdelay $0xd  }
0x68: {  	_, v2, vm0 =	vpop (xrf1)  }
0x69: {  	p0 =	seq.s32 s16, $0x9  }
0x6a: {  	s17 =	smul.u32 @!p0 $0x4E20, s16;
	_ =	sdelay $0x1  }
0x6b: {  	s17 =	sadd.s32 @!p0 s17, s6  }
0x6c: {  	s17 =	sshrl.u32 @!p0 s17, $0x3  }
0x6d: {  	s18 =	simm.s32 @!p0 $0x0;
	s19 =	simm.s32 @!p0 $0x19000;
	s17 =	sadd.s32 @!p0 s2, s17;
	[tilespmem:v1+s3+$0x0] =	vst.idx.add.s32.msk vm0, v2  }
0x6e: {  	[tilespmem:s19], [sflag:$0x1] =	stream.linear.gather @!p0 [hbm4b:s17+s18], $0x2710, $0x38;
	[tilespmem:$0x1DF00] =	vst v63  }
0x6f: {  	_ =	swait.ge [sflag:s13], $0x2710  }
0x70: {  	[sflag:s13] =	ssyncset.done $0x0  }
0x71: {  	s30 =	simm.s32 $0x1B7C0;
	[sflag:s13] =	ssyncadd.s32 $0xFFFFD8F0  }
0x72: {  	v10 =	vld [tilespmem:s30+$0x30]  }
0x73: {  	v11 =	vld [tilespmem:s30+$0xFFFFFFD0]  }
0x74: {  	v58 =	vld [tilespmem:s30+$0xFFFFFFE0]  }
0x75: {  	v59 =	vld [tilespmem:s30+$0xFFFFFFF0]  }
0x76: {  	v60 =	vld [tilespmem:s30+$0x0]  }
0x77: {  	v61 =	vld [tilespmem:s30+$0x10];
	(xrf1) =	vunique.msk.u32 $0xffff, v10  }
0x78: {  	v62 =	vld [tilespmem:s30+$0x20];
	(xrf1) =	vunique.msk.u32 $0xffff, v11  }
0x79: {  	(xrf1) =	vunique.msk.u32 $0xffff, v58  }
0x7a: {  	(xrf1) =	vunique.msk.u32 $0xffff, v59  }
0x7b: {  	(xrf1) =	vunique.msk.u32 $0xffff, v60  }
0x7c: {  	(xrf1) =	vunique.msk.u32 $0xffff, v61  }
0x7d: {  	(xrf1) =	vunique.msk.u32 $0xffff, v62  }
0x7e: {  	v1 =	vld [tilespmem:s30+$0xFFFFFFC0];
	_ =	sdelay $0x2  }
0x7f: {  	s31 =	simm.s32 $0x1B840  }
0x80: {  	v6 =	vld [tilespmem:s31+$0x30]  }
0x81: {  	v4 =	vld [tilespmem:s31+$0xFFFFFFD0];
	(xrf1) =	vunique.msk.u32 $0xffff, v1  }
0x82: {  	v2 =	vld [tilespmem:s31+$0xFFFFFFE0]  }
0x83: {  	v3 =	vld [tilespmem:s31+$0xFFFFFFF0];
	_, v17, vm0 =	vpop (xrf1)  }
0x84: {  	v5 =	vld [tilespmem:s31+$0x0];
	_, v18, vm1 =	vpop (xrf1)  }
0x85: {  	v7 =	vld [tilespmem:s31+$0x10];
	(xrf1) =	vunique.msk.u32 $0xffff, v6;
	_, v19, vm2 =	vpop (xrf1)  }
0x86: {  	v8 =	vld [tilespmem:s31+$0x20];
	(xrf1) =	vunique.msk.u32 $0xffff, v4;
	_, v20, vm3 =	vpop (xrf1)  }
0x87: {  	v9 =	vld [tilespmem:s31+$0xFFFFFFC0];
	(xrf1) =	vunique.msk.u32 $0xffff, v2;
	_, v21, vm13 =	vpop (xrf1)  }
0x88: {  	(xrf1) =	vunique.msk.u32 $0xffff, v3;
	_, v22, vm14 =	vpop (xrf1)  }
0x89: {  	(xrf1) =	vunique.msk.u32 $0xffff, v5;
	[tilespmem:v10+s3+$0x0] =	vst.idx.add.s32.msk vm0, v17;
	_, v63, vm15 =	vpop (xrf1)  }
0x8a: {  	(xrf1) =	vunique.msk.u32 $0xffff, v7;
	[tilespmem:v11+s3+$0x0] =	vst.idx.add.s32.msk vm1, v18  }
0x8b: {  	(xrf1) =	vunique.msk.u32 $0xffff, v8;
	[tilespmem:v58+s3+$0x0] =	vst.idx.add.s32.msk vm2, v19  }
0x8c: {  	(xrf1) =	vunique.msk.u32 $0xffff, v9;
	[tilespmem:v59+s3+$0x0] =	vst.idx.add.s32.msk vm3, v20  }
0x8d: {  	[tilespmem:v60+s3+$0x0] =	vst.idx.add.s32.msk vm13, v21  }
0x8e: {  	[tilespmem:v61+s3+$0x0] =	vst.idx.add.s32.msk vm14, v22  }
0x8f: {  	s17 =	simm.s32 $0x8;
	s18 =	simm.s32 $0x1B8C0;
	_, v10, vm0 =	vpop (xrf1);
	[tilespmem:v62+s3+$0x0] =	vst.idx.add.s32.msk vm15, v63  }
.LBB2_7:
0x90: {  	v11 =	vld [tilespmem:s18+$0x30];
	s17 =	sadd.s32 $0x8, s17  }
0x91: {  	v12 =	vld [tilespmem:s18+$0xFFFFFFD0];
	p1 =	slt.u32 s17, $0x268  }
0x92: {  	v13 =	vld [tilespmem:s18+$0xFFFFFFE0]  }
0x93: {  	v14 =	vld [tilespmem:s18+$0xFFFFFFF0];
	_, v15, vm1 =	vpop (xrf1)  }
0x94: {  	v16 =	vld [tilespmem:s18+$0x0];
	_, v17, vm2 =	vpop (xrf1)  }
0x95: {  	v18 =	vld [tilespmem:s18+$0x10];
	(xrf1) =	vunique.msk.u32 $0xffff, v11;
	_, v19, vm3 =	vpop (xrf1)  }
0x96: {  	v20 =	vld [tilespmem:s18+$0x20];
	(xrf1) =	vunique.msk.u32 $0xffff, v12;
	_, v21, vm4 =	vpop (xrf1)  }
0x97: {  	v22 =	vld [tilespmem:s18+$0xFFFFFFC0];
	(xrf1) =	vunique.msk.u32 $0xffff, v13;
	_, v23, vm5 =	vpop (xrf1)  }
0x98: {  	(xrf1) =	vunique.msk.u32 $0xffff, v14;
	_, v24, vm6 =	vpop (xrf1);
	[tilespmem:v1+s3+$0x0] =	vst.idx.add.s32.msk vm0, v10;
	v1 =	vmov v9  }
0x99: {  	(xrf1) =	vunique.msk.u32 $0xffff, v16;
	[tilespmem:v6+s3+$0x0] =	vst.idx.add.s32.msk vm1, v15;
	_, v15, vm1 =	vpop (xrf1);
	v6 =	vmov v11  }
0x9a: {  	(xrf1) =	vunique.msk.u32 $0xffff, v18;
	[tilespmem:v4+s3+$0x0] =	vst.idx.add.s32.msk vm2, v17;
	_, v10, vm0 =	vpop (xrf1);
	v4 =	vmov v12  }
.Ltmp4:
0x9b: {  	(xrf1) =	vunique.msk.u32 $0xffff, v20;
	[tilespmem:v2+s3+$0x0] =	vst.idx.add.s32.msk vm3, v19;
	v2 =	vmov v13;
	(pc) =	sbr.rel @p1 .LBB2_7-.Ltmp4, $4  }
0x9c: {  	(xrf1) =	vunique.msk.u32 $0xffff, v22;
	[tilespmem:v3+s3+$0x0] =	vst.idx.add.s32.msk vm4, v21;
	v3 =	vmov v14;
	v9 =	vmov v22  }
0x9d: {  	[tilespmem:v5+s3+$0x0] =	vst.idx.add.s32.msk vm5, v23;
	v5 =	vmov v16  }
0x9e: {  	[tilespmem:v7+s3+$0x0] =	vst.idx.add.s32.msk vm6, v24;
	v7 =	vmov v18  }
0x9f: {  	s18 =	sadd.s32 $0x80, s18;
	[tilespmem:v8+s3+$0x0] =	vst.idx.add.s32.msk vm1, v15;
	v8 =	vmov v20  }
0xa0: {  	_ =	sdelay $0x2  }
0xa1: {  	_, v11, vm1 =	vpop (xrf1)  }
0xa2: {  	_, v12, vm2 =	vpop (xrf1)  }
0xa3: {  	_, v13, vm3 =	vpop (xrf1)  }
0xa4: {  	_, v14, vm4 =	vpop (xrf1)  }
0xa5: {  	_, v15, vm5 =	vpop (xrf1)  }
0xa6: {  	[tilespmem:v1+s3+$0x0] =	vst.idx.add.s32.msk vm0, v10;
	_, v16, vm6 =	vpop (xrf1)  }
0xa7: {  	[tilespmem:v6+s3+$0x0] =	vst.idx.add.s32.msk vm1, v11;
	_, v1, vm0 =	vpop (xrf1)  }
0xa8: {  	[tilespmem:v4+s3+$0x0] =	vst.idx.add.s32.msk vm2, v12;
	_, v63, vm14 =	vpop (xrf1)  }
0xa9: {  	[tilespmem:v2+s3+$0x0] =	vst.idx.add.s32.msk vm3, v13  }
0xaa: {  	[tilespmem:v3+s3+$0x0] =	vst.idx.add.s32.msk vm4, v14  }
0xab: {  	[tilespmem:v5+s3+$0x0] =	vst.idx.add.s32.msk vm5, v15  }
0xac: {  	[tilespmem:v7+s3+$0x0] =	vst.idx.add.s32.msk vm6, v16  }
0xad: {  	[tilespmem:v8+s3+$0x0] =	vst.idx.add.s32.msk vm0, v1  }
0xae: {  	[tilespmem:v9+s3+$0x0] =	vst.idx.add.s32.msk vm14, v63  }
0xaf: {  	v1 =	vld [tilespmem:$0x1DE80];
	_ =	sdelay $0x4  }
0xb0: {  	(xrf1) =	vunique.msk.u32 $0xffff, v1;
	_ =	sdelay $0xd  }
0xb1: {  	_, v2, vm15 =	vpop (xrf1);
	_ =	sdelay $0x1  }
.Ltmp5:
0xb2: {  	_ = 	snop;
	(pc) =	sbr.rel @p0 .LBB2_10-.Ltmp5, $2  }
0xb3: {  	_ =	sdelay $0x2  }
0xb4: {  	[tilespmem:v1+s3+$0x0] =	vst.idx.add.s32.msk vm15, v2  }
0xb5: {  	s17 =	smul.u32 $0x4E20, s16  }
.Ltmp6:
0xb6: {  	_ = 	snop;
	(pc) =	sbr.rel .LBB2_4-.Ltmp6, $4  }
0xb7: {  	s17 =	sadd.s32 s17, s7  }
0xb8: {  	s17 =	sshrl.u32 s17, $0x3  }
0xb9: {  	s16 =	sadd.s32 $0x1, s16;
	s17 =	sadd.s32 s2, s17  }
0xba: {  	[tilespmem:s11], [sflag:$0x2] =	stream.linear.gather [hbm4b:s17+s3], $0x2710, $0x38;
	[tilespmem:$0x1DF00] =	vst v63  }
.LBB2_11:
0xbb: {  	_ =	sfence.sel $0x180000  }
0xbc: {  	[bflag:$0x0] =	sbarrier.arrive $0xFFFF  }
0xbd: {  	p0 =	sne.s32 s0, $0x0;
	_ =	strace $0x90000047  }
0xbe: {  	s0 =	sadd.s32 @!p0 $0x100000, s1;
	[bflag:$0x2] =	sbarrier.arrive $0xFFFF  }
0xbf: {  	[sflag:s0] =	ssyncadd.tile.s32 @!p0 $0x1;
	_ =	shalt  }
.Lfunc_end2:
_tile_overlayer_lowered:
.L_overlay_start_2:
0xc0: {  	(tag) =	ssettag $0x2  }
0xc1: {  	s0 =	rddreg [dreg:$0x0];
	s2 =	stileid.u32  }
0xc2: {  	s1 =	rddreg [dreg:$0x1];
	p0 =	sne.s32 s2, $0x0  }
0xc3: {  	s3 =	rddreg [dreg:$0x2];
	[bflag:$0x3] =	sbarrier.arrive $0xFFFF;
	s2 =	simm.s32 @!p0 $0x1C03  }
0xc4: {  	[timem:s3], [sflag:s2] =	dma.local @!p0 [hbm:s0], s1  }
0xc5: {  	s0 =	simm.s32 @!p0 $0x3  }
0xc6: {  	_ =	swait.ge @!p0 [sflag:s0], s1  }
0xc7: {  	s1 =	ssub.s32 @!p0 $0x0, s1;
	[sflag:s0] =	ssyncset.done @!p0 $0x0  }
0xc8: {  	[sflag:s0] =	ssyncadd.s32 @!p0 s1  }
0xc9: {  	[bflag:$0x3] =	sbarrier.arrive $0xFFFF  }
0xca: {  	_ =	shalt  }

// kernel: kernel.8.cloned.1.call-start
scs
__scs_entry_jumppad:
0x0: {  	(pc) =	sbr.rel $0x88, $3  }
0x1: {  	(tag) =	ssettag $0x0;
	lr =	simm.s32 $0x1  }
0x2: {  	[smem:$0x3FA0] =	sst lr;
	_ =	strace $0xD0000000  }
0x3: {  	_ = 	snop  }
0x4: {  	_ = 	snop  }
0x5: {  	_ = 	snop  }
0x6: {  	_ = 	snop  }
0x7: {  	_ = 	snop  }
__scs_overlays_trampoline_lowered:
0x8: {  	[smem:$0x3FAF] =	sst s0  }
0x9: {  	[smem:$0x3FB0] =	sst s1  }
0xa: {  	[smem:$0x3FB1] =	sst s2  }
0xb: {  	[smem:$0x3FB2] =	sst s3  }
0xc: {  	[smem:$0x3FB3] =	sst s4  }
0xd: {  	[smem:$0x3FB4] =	sst s5  }
0xe: {  	[smem:$0x3FB5] =	sst s6  }
0xf: {  	[smem:$0x3FB6] =	sst s7  }
0x10: {  	[smem:$0x3FB7] =	sst s8  }
0x11: {  	[smem:$0x3FB8] =	sst s9;
	s0 =	simm.s32 @!p0 $0x0  }
0x12: {  	s1 =	sld [smem:$0x3F9E];
	s0 =	simm.s32 @p0 $0x1  }
0x13: {  	[smem:$0x3FB9] =	sst s0;
	s0 =	simm.s32 @!p1 $0x0  }
0x14: {  	s2 =	sld [smem:$0x3F9D];
	s0 =	simm.s32 @p1 $0x1  }
0x15: {  	[smem:$0x3FBA] =	sst s0;
	s0 =	simm.s32 @!p2 $0x0  }
0x16: {  	s3 =	sld [smem:$0x3FDB];
	s0 =	simm.s32 @p2 $0x1  }
0x17: {  	s4 =	simm.s32 $0x1BF5;
	[smem:$0x3FBC] =	sst s0  }
0x18: {  	s0 =	sld [smem:$0x3F9F];
	_ =	swait.ge [sflag:s4], $0x0  }
0x19: {  	s7 =	sld [smem:$0x3FA0]  }
0x1a: {  	s8 =	sadd.s32 $0xFFFFE003, lr  }
0x1b: {  	s9 =	sadd.s32 $0xFFFFFEF7, lr;
	s5 =	simm.s32 $0xFFFFFFFF;
	p2 =	slt.u32 s8, $0xFFFFF086  }
0x1c: {  	p1 =	slt.u32 s9, $0xF7A;
	s5 =	simm.s32 @!p2 $0x0  }
0x1d: {  	s5 =	simm.s32 @p1 $0x1;
	p0 =	seq.s32 s7, s2  }
0x1e: {  	s7 =	smul.u32 @!p0 $0xF7A, s2;
	p2 =	seq.s32 @!p0 s5, $0x0  }
0x1f: {  	s9 =	smul.u32 $0xF7A, s1;
	s8 =	simm.s32 @!p0 $0x1BF5;
	p2 =	por !p2, p0  }
0x20: {  	[sflag:s8] =	ssyncset.s32 @!p0 $0xFFFFF086;
	s6 =	sadd.s32 @!p0 s3, s7;
	s7 =	simm.s32 @!p0 $0x108  }
0x21: {  	s3 =	sadd.s32 s3, s9;
	s6 =	sadd.s32 @!p0 $0x88, s6;
	s7 =	simm.s32 @p2 $0x1082  }
0x22: {  	[simem:s7], [sflag:s8] =	dma.local @!p0 [hbm:s6], $0xF7A  }
0x23: {  	s9 =	sor.u32 $0xD0000000, s2;
	s6 =	simm.s32 $0x108;
	_ =	swait.ge @!p0 [sflag:s8], $0x0  }
0x24: {  	s3 =	sadd.s32 $0x88, s3;
	s6 =	simm.s32 @!p1 $0x1082;
	[sflag:s4] =	ssyncset.s32 $0xFFFFF086  }
0x25: {  	[simem:s6], [sflag:s4] =	dma.local [hbm:s3], $0xF7A  }
0x26: {  	[smem:$0x3FA0] =	sst s1;
	(tag) =	ssettag s2;
	_ =	strace s9  }
0x27: {  	s1 =	sld [smem:$0x3FB0]  }
0x28: {  	s2 =	sld [smem:$0x3FB1]  }
0x29: {  	s4 =	sld [smem:$0x3FB3]  }
0x2a: {  	p0 =	seq.s32 s5, $0x0;
	s5 =	sld [smem:$0x3FB4]  }
0x2b: {  	s6 =	sld [smem:$0x3FB5]  }
0x2c: {  	s7 =	sld [smem:$0x3FB6]  }
0x2d: {  	s3 =	simm.s32 $0x108;
	s8 =	sld [smem:$0x3FB7]  }
0x2e: {  	s3 =	simm.s32 @!p0 $0x1082;
	s9 =	sld [smem:$0x3FB8]  }
0x2f: {  	lr =	sadd.s32 s0, s3;
	s0 =	sld [smem:$0x3FAF]  }
0x30: {  	s3 =	sld [smem:$0x3FB2]  }
0x31: {  	[smem:$0x3FBB] =	sst s10  }
0x32: {  	s10 =	sld [smem:$0x3FB9];
	_ =	sdelay $0x3  }
0x33: {  	p0 =	seq.s32 s10, $0x1;
	s10 =	sld [smem:$0x3FBB];
	_ =	sdelay $0x3  }
0x34: {  	[smem:$0x3FBB] =	sst s10  }
0x35: {  	s10 =	sld [smem:$0x3FBA];
	_ =	sdelay $0x3  }
0x36: {  	p1 =	seq.s32 s10, $0x1;
	s10 =	sld [smem:$0x3FBB];
	_ =	sdelay $0x3  }
0x37: {  	[smem:$0x3FBB] =	sst s10  }
0x38: {  	s10 =	sld [smem:$0x3FBC]  }
0x39: {  	_ = 	snop;
	(pc) =	sbr.ind lr, $3  }
0x3a: {  	_ = 	snop  }
0x3b: {  	_ = 	snop  }
0x3c: {  	p2 =	seq.s32 s10, $0x1;
	s10 =	sld [smem:$0x3FBB]  }
0x3d: {  	_ =	shalt  }
0x3e: {  	_ =	shalt  }
0x3f: {  	_ =	shalt  }
0x40: {  	_ =	shalt  }
0x41: {  	_ =	shalt  }
0x42: {  	_ =	shalt  }
0x43: {  	_ =	shalt  }
0x44: {  	_ =	shalt  }
0x45: {  	_ =	shalt  }
0x46: {  	_ =	shalt  }
0x47: {  	_ =	shalt  }
0x48: {  	_ =	shalt  }
0x49: {  	_ =	shalt  }
0x4a: {  	_ =	shalt  }
0x4b: {  	_ =	shalt  }
0x4c: {  	_ =	shalt  }
0x4d: {  	_ =	shalt  }
0x4e: {  	_ =	shalt  }
0x4f: {  	_ =	shalt  }
0x50: {  	_ =	shalt  }
0x51: {  	_ =	shalt  }
0x52: {  	_ =	shalt  }
0x53: {  	_ =	shalt  }
0x54: {  	_ =	shalt  }
0x55: {  	_ =	shalt  }
0x56: {  	_ =	shalt  }
0x57: {  	_ =	shalt  }
0x58: {  	_ =	shalt  }
0x59: {  	_ =	shalt  }
0x5a: {  	_ =	shalt  }
0x5b: {  	_ =	shalt  }
0x5c: {  	_ =	shalt  }
0x5d: {  	_ =	shalt  }
0x5e: {  	_ =	shalt  }
0x5f: {  	_ =	shalt  }
0x60: {  	_ =	shalt  }
0x61: {  	_ =	shalt  }
0x62: {  	_ =	shalt  }
0x63: {  	_ =	shalt  }
0x64: {  	_ =	shalt  }
0x65: {  	_ =	shalt  }
0x66: {  	_ =	shalt  }
0x67: {  	_ =	shalt  }
0x68: {  	_ =	shalt  }
0x69: {  	_ =	shalt  }
0x6a: {  	_ =	shalt  }
0x6b: {  	_ =	shalt  }
0x6c: {  	_ =	shalt  }
0x6d: {  	_ =	shalt  }
0x6e: {  	_ =	shalt  }
0x6f: {  	_ =	shalt  }
0x70: {  	_ =	shalt  }
0x71: {  	_ =	shalt  }
0x72: {  	_ =	shalt  }
0x73: {  	_ =	shalt  }
0x74: {  	_ =	shalt  }
0x75: {  	_ =	shalt  }
0x76: {  	_ =	shalt  }
0x77: {  	_ =	shalt  }
0x78: {  	_ =	shalt  }
0x79: {  	_ =	shalt  }
0x7a: {  	_ =	shalt  }
0x7b: {  	_ =	shalt  }
0x7c: {  	_ =	shalt  }
0x7d: {  	_ =	shalt  }
0x7e: {  	_ =	shalt  }
0x7f: {  	_ =	shalt  }
0x80: {  	_ =	shalt  }
0x81: {  	_ =	shalt  }
0x82: {  	_ =	shalt  }
0x83: {  	_ =	shalt  }
0x84: {  	_ =	shalt  }
0x85: {  	_ =	shalt  }
0x86: {  	_ =	shalt  }
0x87: {  	_ =	shalt  }
.Lfunc_end0:
.L_simem_size_0:
called_computation.1_lowered:
.L_overlay_start_0:
0x88: {  	s2 =	sld [smem:$0x3FD9]  }
0x89: {  	s3 =	sld [smem:$0x3FFE];
	_ =	sdelay $0x1  }
0x8a: {  	s1 =	srdreg.scid  }
0x8b: {  	s0 =	sand.u32 $0x1, s1  }
0x8c: {  	s17 =	sshll.u32 s0, $0xA;
	s2 =	sadd.s32 s3, s2  }
0x8d: {  	s2 =	sadd.s32 s2, s17  }
0x8e: {  	[smem:$0x3FC7] =	sst s2  }
0x8f: {  	_ = 	snop  }
0x90: {  	s2 =	sld [smem:$0x3FD0];
	(tm) =	ssettm $0x1  }
0x91: {  	s18 =	sld [smem:$0x3FFB];
	_ =	sdelay $0x3  }
0x92: {  	_ =	strace s18  }
0x93: {  	s3 =	sld [smem:$0x3FFC];
	_ =	sdelay $0x3  }
0x94: {  	_ =	strace s3  }
0x95: {  	s3 =	sld [smem:$0x3FFD];
	_ =	sdelay $0x3  }
0x96: {  	_ =	strace s3  }
0x97: {  	_ =	strace $0x8FFFFFFF  }
0x98: {  	s19 =	sld [smem:$0x3FDB];
	_ =	sdelay $0x1  }
0x99: {  	s4 =	simm.s32 $_scs_section_size  }
0x9a: {  	s5 =	simm.s32 $_size__tile_overlayer_lowered;
	s6 =	simm.s32 $_tile_overlayer_lowered  }
0x9b: {  	s22 =	simm.s32 $0x1BFF;
	s21 =	sshll.u32 s6, $0x1;
	s3 =	sadd.s32 s4, s19  }
0x9c: {  	s7 =	simm.s32 $0x0;
	s20 =	sshll.u32 s5, $0x1;
	s5 =	sadd.s32 s21, s3  }
0x9d: {  	[timem:s7], [sflag:s22] =	dma.local [hbm:s5], s20  }
0x9e: {  	_ =	swait.ge [sflag:s22], s20  }
0x9f: {  	s4 =	ssub.s32 $0x0, s20;
	[sflag:s22] =	ssyncset.done $0x0  }
0xa0: {  	[sflag:s22] =	ssyncadd.s32 s4;
	_ =	sdelay $0x1  }
0xa1: {  	s23 =	simm.s32 $0x1B8B  }
0xa2: {  	_ =	swait.ge [sflag:s23], $0x1  }
0xa3: {  	[sflag:s23] =	ssyncset.done $0x0  }
0xa4: {  	s25 =	simm.s32 $0x1B8E;
	s24 =	sld [smem:$0x3FFE];
	[sflag:s23] =	ssyncadd.s32 $0xFFFFFFFF  }
0xa5: {  	s26 =	simm.s32 $execute0_lowered;
	[smem:$0x3FD2] =	sst s25  }
0xa6: {  	s5 =	sshll.u32 s26, $0x1;
	_ =	strace $0x80000049;
	[dreg:$0x1] =	wrdreg $0xFFFFFFFF  }
0xa7: {  	s28 =	simm.s32 $_size_execute0_lowered;
	s3 =	sadd.s32 s3, s5;
	[dreg:$0x0] =	wrdreg $0x0  }
0xa8: {  	s5 =	sshll.u32 s28, $0x1;
	[dreg:$0x2] =	wrdreg s3  }
0xa9: {  	[dreg:$0x3] =	wrdreg s5  }
0xaa: {  	[dreg:$0x4] =	wrdreg $0xC0  }
0xab: {  	_ =	task [dreg:s7], $0x5FFFF  }
0xac: {  	[dreg:$0x1] =	wrdreg $0xFFFFFFFF  }
0xad: {  	[dreg:$0x0] =	wrdreg $0x60  }
0xae: {  	[dreg:$0x2] =	wrdreg s24  }
0xaf: {  	[dreg:$0x3] =	wrdreg s2  }
0xb0: {  	[dreg:$0x4] =	wrdreg $0x9  }
0xb1: {  	_ =	task.clear_ibuf [dreg:s7], $0x5FFFF;
	_ =	strace $0x90000049  }
0xb2: {  	s29 =	simm.s32 $0x9;
	_ =	strace $0x8000004B  }
0xb3: {  	_ =	swait.ge [sflag:s29], $0x1  }
0xb4: {  	[sflag:s29] =	ssyncadd.s32 $0xFFFFFFFF  }
0xb5: {  	_ =	strace $0x9000004B  }
0xb6: {  	_ =	sfence  }
0xb7: {  	s30 =	sld [smem:$0x0];
	_ =	sdelay $0x2  }
0xb8: {  	s31 =	sshll.u32 s1, $0xD;
	s1 =	sshrl.u32 s1, $0x2  }
0xb9: {  	s3 =	sand.u32 $0x4000, s31;
	s1 =	sadd.s32 s1, s30  }
0xba: {  	s0 =	sor.u32 s3, s0;
	s1 =	sshll.u32 s1, $0x11  }
0xbb: {  	s0 =	sor.u32 s1, s0  }
0xbc: {  	s0 =	sadd.s32 $0x8F2B, s0  }
0xbd: {  	[sflag:s0] =	ssyncadd.remote.s32 $0x1  }
0xbe: {  	_ =	sfence.sel $0xFFFF  }
0xbf: {  	[dreg:$0x0] =	wrdreg $0xFFFFFFFF;
	(pc) =	sbr.abs _section_cstart, $3  }
0xc0: {  	[dreg:$0x1] =	wrdreg $0xFFFFFFFF  }
0xc1: {  	_ =	task.clear_ibuf [dreg:s7], $0x2FFFF;
	_ =	strace $0x9FFFFFFF  }
0xc2: {  	(tm) =	ssettm $0x7FFFFFFF  }
0xc3: {  	_ =	shalt  }
tec
execute0_lowered:
.L_overlay_start_1:
0x0: {  	(tag) =	ssettag $0x1  }
0x1: {  	s0 =	rddreg [dreg:$0x0]  }
0x2: {  	s2 =	rddreg [dreg:$0x1]  }
0x3: {  	s1 =	srdreg.scid;
	s4 =	stileid.u32;
	s3 =	simm.s32 $0x0  }
0x4: {  	s15 =	simm.s32 $0x19000;
	s16 =	simm.s32 $0x1AF80;
	s17 =	simm.s32 $0x7  }
0x5: {  	s18 =	simm.s32 $0x1;
	s19 =	simm.s32 $0x1CF00;
	s20 =	simm.s32 $0x2  }
0x6: {  	s21 =	simm.s32 $0x4;
	s22 =	simm.s32 $0x3;
	s23 =	simm.s32 $0x5  }
0x7: {  	s24 =	simm.s32 $0x6;
	s1 =	sand.u32 $0x1, s1;
	s4 =	sshll.u32 s4, $0x1  }
0x8: {  	s25 =	simm.s32 $0x0;
	[smem:$0x7FF] =	sst s3;
	s4 =	sor.u32 s1, s4  }
0x9: {  	s5 =	sadd.s32 $0xE00, s0;
	s29 =	ssub.s32 $0x2, s1;
	s4 =	smul.u32 $0x30D40, s4  }
0xa: {  	s6 =	sadd.s32 $0xC4400, s0;
	_ =	strace $0x8000004A;
	s1 =	sshrl.u32 s29, $0x1  }
0xb: {  	s0 =	ssub.s32 s29, s1;
	s11 =	sshrl.u32 s4, $0x3;
	s7 =	sadd.s32 $0x1F40, s4  }
0xc: {  	s10 =	sadd.s32 $0x3E80, s4;
	s12 =	sadd.s32 $0x7D00, s4;
	s14 =	smax.u32 s0, $0x1  }
0xd: {  	s8 =	sadd.s32 s5, s11;
	s30 =	sshrl.u32 s7, $0x3;
	s31 =	sadd.s32 s2, s11  }
0xe: {  	s11 =	sadd.s32 $0x5DC0, s4;
	s9 =	sadd.s32 s5, s30;
	s13 =	sadd.s32 $0x5DC0, s31  }
.LBB2_1:
0xf: {  	[tilespmem:s15], [sflag:$0x1] =	stream.linear.gather [hbm4b:s8+s3], $0x1F40, $0x38;
	[tilespmem:$0x1EE80] =	vst v63  }
0x10: {  	_ = 	snop  }
0x11: {  	[tilespmem:s16], [sflag:$0x2] =	stream.linear.gather [hbm4b:s9+s3], $0x1F40, $0x38;
	[tilespmem:$0x1EE80] =	vst v63  }
0x12: {  	_ = 	snop  }
0x13: {  	[tilespmem:s3], [sflag:$0x7] =	stream.linear.gather [hbm4b:s6+s3], $0x19000, $0x38;
	[tilespmem:$0x1EE80] =	vst v63  }
0x14: {  	_ =	swait.ge [sflag:s17], $0x19000  }
0x15: {  	[sflag:s17] =	ssyncset.done $0x0  }
0x16: {  	s26 =	simm.s32 $0x0;
	[sflag:s17] =	ssyncadd.s32 $0xFFFE7000  }
.LBB2_2:
0x17: {  	_ =	swait.ge [sflag:s18], $0x1F40  }
0x18: {  	[sflag:s18] =	ssyncset.done $0x0  }
0x19: {  	s29 =	simm.s32 $0x19040;
	[sflag:s18] =	ssyncadd.s32 $0xFFFFE0C0  }
0x1a: {  	v0 =	vld [tilespmem:s29+$0x30]  }
0x1b: {  	v1 =	vld [tilespmem:s29+$0xFFFFFFD0]  }
0x1c: {  	v2 =	vld [tilespmem:s29+$0xFFFFFFE0]  }
0x1d: {  	v3 =	vld [tilespmem:s29+$0xFFFFFFF0]  }
0x1e: {  	v6 =	vld [tilespmem:s29+$0x0]  }
0x1f: {  	v7 =	vld [tilespmem:s29+$0x10]  }
0x20: {  	v8 =	vld [tilespmem:s29+$0x20]  }
0x21: {  	s28 =	simm.s32 $0x0;
	v9 =	vld [tilespmem:s29+$0xFFFFFFC0]  }
0x22: {  	v10 =	vld.idx.msk [tilespmem:v0+s28+$0x0], $0xffff  }
0x23: {  	v11 =	vld.idx.msk [tilespmem:v1+s28+$0x0], $0xffff  }
0x24: {  	v5 =	vld.idx.msk [tilespmem:v2+s28+$0x0], $0xffff  }
0x25: {  	v4 =	vld.idx.msk [tilespmem:v3+s28+$0x0], $0xffff  }
0x26: {  	v2 =	vld.idx.msk [tilespmem:v6+s28+$0x0], $0xffff  }
0x27: {  	v1 =	vld.idx.msk [tilespmem:v7+s28+$0x0], $0xffff  }
0x28: {  	v0 =	vld.idx.msk [tilespmem:v8+s28+$0x0], $0xffff;
	[tilespmem:s29+$0x30] =	vst v10  }
0x29: {  	s30 =	simm.s32 $0x0;
	s0 =	simm.s32 $0x190C0;
	v3 =	vld.idx.msk [tilespmem:v9+s28+$0x0], $0xffff;
	[tilespmem:s29+$0xFFFFFFD0] =	vst v11  }
.LBB2_3:
0x2a: {  	v6 =	vld [tilespmem:s0+$0x30];
	s30 =	sadd.s32 $0x8, s30;
	[tilespmem:s29+$0xFFFFFFE0] =	vst v5  }
0x2b: {  	v5 =	vld [tilespmem:s0+$0xFFFFFFD0];
	p0 =	slt.u32 s30, $0x1E8;
	[tilespmem:s29+$0xFFFFFFF0] =	vst v4  }
0x2c: {  	v4 =	vld [tilespmem:s0+$0xFFFFFFE0];
	[tilespmem:s29+$0x0] =	vst v2  }
0x2d: {  	v2 =	vld [tilespmem:s0+$0xFFFFFFF0];
	[tilespmem:s29+$0x10] =	vst v1  }
0x2e: {  	v1 =	vld [tilespmem:s0+$0x0];
	[tilespmem:s29+$0x20] =	vst v0  }
0x2f: {  	v0 =	vld [tilespmem:s0+$0x10];
	[tilespmem:s29+$0xFFFFFFC0] =	vst v3;
	s29 =	smov.u32 s0  }
0x30: {  	v3 =	vld [tilespmem:s0+$0x20]  }
0x31: {  	v7 =	vld [tilespmem:s0+$0xFFFFFFC0]  }
0x32: {  	v6 =	vld.idx.msk [tilespmem:v6+s28+$0x0], $0xffff  }
0x33: {  	v8 =	vld.idx.msk [tilespmem:v5+s28+$0x0], $0xffff  }
0x34: {  	v5 =	vld.idx.msk [tilespmem:v4+s28+$0x0], $0xffff  }
.Ltmp0:
0x35: {  	v4 =	vld.idx.msk [tilespmem:v2+s28+$0x0], $0xffff;
	(pc) =	sbr.rel @p0 .LBB2_3-.Ltmp0, $4  }
0x36: {  	v2 =	vld.idx.msk [tilespmem:v1+s28+$0x0], $0xffff  }
0x37: {  	v1 =	vld.idx.msk [tilespmem:v0+s28+$0x0], $0xffff  }
0x38: {  	v0 =	vld.idx.msk [tilespmem:v3+s28+$0x0], $0xffff;
	[tilespmem:s0+$0x30] =	vst v6  }
0x39: {  	s0 =	sadd.s32 $0x80, s0;
	v3 =	vld.idx.msk [tilespmem:v7+s28+$0x0], $0xffff;
	[tilespmem:s29+$0xFFFFFFD0] =	vst v8  }
0x3a: {  	[tilespmem:s29+$0xFFFFFFE0] =	vst v5  }
0x3b: {  	[tilespmem:s29+$0xFFFFFFF0] =	vst v4  }
0x3c: {  	[tilespmem:s29+$0x0] =	vst v2  }
0x3d: {  	[tilespmem:s29+$0x10] =	vst v1  }
0x3e: {  	[tilespmem:s29+$0x20] =	vst v0  }
0x3f: {  	[tilespmem:s29+$0xFFFFFFC0] =	vst v3  }
.LBB2_5:
0x40: {  	s0 =	sshra.s32 s28, $0x2  }
0x41: {  	v0 =	vld [tilespmem:s0+$0x1AF00];
	_ =	sdelay $0x7  }
0x42: {  	p0 =	sne.s32 s28, $0xC0;
	v0 =	vld.idx.msk [tilespmem:v0+s3+$0x0], $0xffff  }
.Ltmp1:
0x43: {  	_ = 	snop;
	(pc) =	sbr.rel @p0 .LBB2_5-.Ltmp1, $2  }
0x44: {  	_ =	sdelay $0x2  }
0x45: {  	s28 =	sadd.s32 $0x40, s28;
	[tilespmem:s0+$0x1AF00] =	vst v0  }
0x46: {  	s29 =	smul.u32 $0x5DC0, s26;
	p0 =	seq.s32 s26, $0x0  }
0x47: {  	s0 =	simm.s32 @!p0 $0x6  }
0x48: {  	_ =	swait.ge @!p0 [sflag:s0], $0x1F40;
	s1 =	sadd.s32 s29, s10  }
0x49: {  	[sflag:s0] =	ssyncset.done @!p0 $0x0;
	s28 =	sshrl.u32 s1, $0x3;
	s1 =	sadd.s32 s4, s29  }
0x4a: {  	[sflag:s0] =	ssyncadd.s32 @!p0 $0xFFFFE0C0;
	s0 =	sadd.s32 s5, s28;
	s1 =	sshrl.u32 s1, $0x3  }
0x4b: {  	[tilespmem:s19], [sflag:$0x3] =	stream.linear.gather [hbm4b:s0+s3], $0x1F40, $0x38;
	[tilespmem:$0x1EE80] =	vst v63  }
0x4c: {  	s0 =	sadd.s32 s2, s1  }
0x4d: {  	[hbm4b:s0+s3] =	stream.linear.scatter [tilespmem:s15], [sflag:$0x4], $0x1F40, $0x38;
	[tilespmem:$0x1EE80] =	vst v63  }
0x4e: {  	_ =	swait.ge [sflag:s20], $0x1F40  }
0x4f: {  	[sflag:s20] =	ssyncset.done $0x0  }
0x50: {  	s31 =	simm.s32 $0x1AFC0;
	[sflag:s20] =	ssyncadd.s32 $0xFFFFE0C0  }
0x51: {  	v0 =	vld [tilespmem:s31+$0x30]  }
0x52: {  	v1 =	vld [tilespmem:s31+$0xFFFFFFD0]  }
0x53: {  	v2 =	vld [tilespmem:s31+$0xFFFFFFE0]  }
0x54: {  	v3 =	vld [tilespmem:s31+$0xFFFFFFF0]  }
0x55: {  	v6 =	vld [tilespmem:s31+$0x0]  }
0x56: {  	v7 =	vld [tilespmem:s31+$0x10]  }
0x57: {  	v8 =	vld [tilespmem:s31+$0x20]  }
0x58: {  	s30 =	simm.s32 $0x0;
	v9 =	vld [tilespmem:s31+$0xFFFFFFC0]  }
0x59: {  	v10 =	vld.idx.msk [tilespmem:v0+s30+$0x0], $0xffff  }
0x5a: {  	v11 =	vld.idx.msk [tilespmem:v1+s30+$0x0], $0xffff  }
0x5b: {  	v5 =	vld.idx.msk [tilespmem:v2+s30+$0x0], $0xffff  }
0x5c: {  	v4 =	vld.idx.msk [tilespmem:v3+s30+$0x0], $0xffff  }
0x5d: {  	v2 =	vld.idx.msk [tilespmem:v6+s30+$0x0], $0xffff  }
0x5e: {  	v1 =	vld.idx.msk [tilespmem:v7+s30+$0x0], $0xffff  }
0x5f: {  	v0 =	vld.idx.msk [tilespmem:v8+s30+$0x0], $0xffff;
	[tilespmem:s31+$0x30] =	vst v10  }
0x60: {  	s1 =	simm.s32 $0x1B040;
	s0 =	simm.s32 $0x0;
	v3 =	vld.idx.msk [tilespmem:v9+s30+$0x0], $0xffff;
	[tilespmem:s31+$0xFFFFFFD0] =	vst v11  }
.LBB2_7:
0x61: {  	v6 =	vld [tilespmem:s1+$0x30];
	s0 =	sadd.s32 $0x8, s0;
	[tilespmem:s31+$0xFFFFFFE0] =	vst v5  }
0x62: {  	v5 =	vld [tilespmem:s1+$0xFFFFFFD0];
	p0 =	slt.u32 s0, $0x1E8;
	[tilespmem:s31+$0xFFFFFFF0] =	vst v4  }
0x63: {  	v4 =	vld [tilespmem:s1+$0xFFFFFFE0];
	[tilespmem:s31+$0x0] =	vst v2  }
0x64: {  	v2 =	vld [tilespmem:s1+$0xFFFFFFF0];
	[tilespmem:s31+$0x10] =	vst v1  }
0x65: {  	v1 =	vld [tilespmem:s1+$0x0];
	[tilespmem:s31+$0x20] =	vst v0  }
0x66: {  	v0 =	vld [tilespmem:s1+$0x10];
	[tilespmem:s31+$0xFFFFFFC0] =	vst v3;
	s31 =	smov.u32 s1  }
0x67: {  	v3 =	vld [tilespmem:s1+$0x20]  }
0x68: {  	v7 =	vld [tilespmem:s1+$0xFFFFFFC0]  }
0x69: {  	v6 =	vld.idx.msk [tilespmem:v6+s30+$0x0], $0xffff  }
0x6a: {  	v8 =	vld.idx.msk [tilespmem:v5+s30+$0x0], $0xffff  }
0x6b: {  	v5 =	vld.idx.msk [tilespmem:v4+s30+$0x0], $0xffff  }
.Ltmp2:
0x6c: {  	v4 =	vld.idx.msk [tilespmem:v2+s30+$0x0], $0xffff;
	(pc) =	sbr.rel @p0 .LBB2_7-.Ltmp2, $4  }
0x6d: {  	v2 =	vld.idx.msk [tilespmem:v1+s30+$0x0], $0xffff  }
0x6e: {  	v1 =	vld.idx.msk [tilespmem:v0+s30+$0x0], $0xffff  }
0x6f: {  	v0 =	vld.idx.msk [tilespmem:v3+s30+$0x0], $0xffff;
	[tilespmem:s1+$0x30] =	vst v6  }
0x70: {  	s1 =	sadd.s32 $0x80, s1;
	v3 =	vld.idx.msk [tilespmem:v7+s30+$0x0], $0xffff;
	[tilespmem:s31+$0xFFFFFFD0] =	vst v8  }
0x71: {  	[tilespmem:s31+$0xFFFFFFE0] =	vst v5  }
0x72: {  	[tilespmem:s31+$0xFFFFFFF0] =	vst v4  }
0x73: {  	[tilespmem:s31+$0x0] =	vst v2  }
0x74: {  	[tilespmem:s31+$0x10] =	vst v1  }
0x75: {  	[tilespmem:s31+$0x20] =	vst v0  }
0x76: {  	[tilespmem:s31+$0xFFFFFFC0] =	vst v3  }
.LBB2_9:
0x77: {  	s0 =	sshra.s32 s30, $0x2  }
0x78: {  	v0 =	vld [tilespmem:s0+$0x1CE80];
	_ =	sdelay $0x7  }
0x79: {  	p0 =	sne.s32 s30, $0xC0;
	v0 =	vld.idx.msk [tilespmem:v0+s3+$0x0], $0xffff  }
.Ltmp3:
0x7a: {  	_ = 	snop;
	(pc) =	sbr.rel @p0 .LBB2_9-.Ltmp3, $2  }
0x7b: {  	_ =	sdelay $0x2  }
0x7c: {  	s30 =	sadd.s32 $0x40, s30;
	[tilespmem:s0+$0x1CE80] =	vst v0  }
0x7d: {  	_ =	swait.ge [sflag:s21], $0x1F40;
	s0 =	sadd.s32 s29, s11  }
0x7e: {  	s1 =	sadd.s32 s29, s7;
	[sflag:s21] =	ssyncset.done $0x0;
	s0 =	sshrl.u32 s0, $0x3  }
0x7f: {  	s1 =	sshrl.u32 s1, $0x3;
	[sflag:s21] =	ssyncadd.s32 $0xFFFFE0C0;
	s0 =	sadd.s32 s5, s0  }
0x80: {  	[tilespmem:s15], [sflag:$0x1] =	stream.linear.gather [hbm4b:s0+s3], $0x1F40, $0x38;
	[tilespmem:$0x1EE80] =	vst v63  }
0x81: {  	s0 =	sadd.s32 s2, s1  }
0x82: {  	[hbm4b:s0+s3] =	stream.linear.scatter [tilespmem:s16], [sflag:$0x5], $0x1F40, $0x38;
	[tilespmem:$0x1EE80] =	vst v63  }
0x83: {  	_ =	swait.ge [sflag:s22], $0x1F40  }
0x84: {  	[sflag:s22] =	ssyncset.done $0x0  }
0x85: {  	s31 =	simm.s32 $0x1CF40;
	[sflag:s22] =	ssyncadd.s32 $0xFFFFE0C0  }
0x86: {  	v0 =	vld [tilespmem:s31+$0x30]  }
0x87: {  	v1 =	vld [tilespmem:s31+$0xFFFFFFD0]  }
0x88: {  	v2 =	vld [tilespmem:s31+$0xFFFFFFE0]  }
0x89: {  	v3 =	vld [tilespmem:s31+$0xFFFFFFF0]  }
0x8a: {  	v6 =	vld [tilespmem:s31+$0x0]  }
0x8b: {  	v7 =	vld [tilespmem:s31+$0x10]  }
0x8c: {  	v8 =	vld [tilespmem:s31+$0x20]  }
0x8d: {  	s30 =	simm.s32 $0x0;
	v9 =	vld [tilespmem:s31+$0xFFFFFFC0]  }
0x8e: {  	v10 =	vld.idx.msk [tilespmem:v0+s30+$0x0], $0xffff  }
0x8f: {  	v11 =	vld.idx.msk [tilespmem:v1+s30+$0x0], $0xffff  }
0x90: {  	v5 =	vld.idx.msk [tilespmem:v2+s30+$0x0], $0xffff  }
0x91: {  	v4 =	vld.idx.msk [tilespmem:v3+s30+$0x0], $0xffff  }
0x92: {  	v2 =	vld.idx.msk [tilespmem:v6+s30+$0x0], $0xffff  }
0x93: {  	v1 =	vld.idx.msk [tilespmem:v7+s30+$0x0], $0xffff  }
0x94: {  	v0 =	vld.idx.msk [tilespmem:v8+s30+$0x0], $0xffff;
	[tilespmem:s31+$0x30] =	vst v10  }
0x95: {  	s1 =	simm.s32 $0x1CFC0;
	s0 =	simm.s32 $0x0;
	v3 =	vld.idx.msk [tilespmem:v9+s30+$0x0], $0xffff;
	[tilespmem:s31+$0xFFFFFFD0] =	vst v11  }
.LBB2_11:
0x96: {  	v6 =	vld [tilespmem:s1+$0x30];
	s0 =	sadd.s32 $0x8, s0;
	[tilespmem:s31+$0xFFFFFFE0] =	vst v5  }
0x97: {  	v5 =	vld [tilespmem:s1+$0xFFFFFFD0];
	p0 =	slt.u32 s0, $0x1E8;
	[tilespmem:s31+$0xFFFFFFF0] =	vst v4  }
0x98: {  	v4 =	vld [tilespmem:s1+$0xFFFFFFE0];
	[tilespmem:s31+$0x0] =	vst v2  }
0x99: {  	v2 =	vld [tilespmem:s1+$0xFFFFFFF0];
	[tilespmem:s31+$0x10] =	vst v1  }
0x9a: {  	v1 =	vld [tilespmem:s1+$0x0];
	[tilespmem:s31+$0x20] =	vst v0  }
0x9b: {  	v0 =	vld [tilespmem:s1+$0x10];
	[tilespmem:s31+$0xFFFFFFC0] =	vst v3;
	s31 =	smov.u32 s1  }
0x9c: {  	v3 =	vld [tilespmem:s1+$0x20]  }
0x9d: {  	v7 =	vld [tilespmem:s1+$0xFFFFFFC0]  }
0x9e: {  	v6 =	vld.idx.msk [tilespmem:v6+s30+$0x0], $0xffff  }
0x9f: {  	v8 =	vld.idx.msk [tilespmem:v5+s30+$0x0], $0xffff  }
0xa0: {  	v5 =	vld.idx.msk [tilespmem:v4+s30+$0x0], $0xffff  }
.Ltmp4:
0xa1: {  	v4 =	vld.idx.msk [tilespmem:v2+s30+$0x0], $0xffff;
	(pc) =	sbr.rel @p0 .LBB2_11-.Ltmp4, $4  }
0xa2: {  	v2 =	vld.idx.msk [tilespmem:v1+s30+$0x0], $0xffff  }
0xa3: {  	v1 =	vld.idx.msk [tilespmem:v0+s30+$0x0], $0xffff  }
0xa4: {  	v0 =	vld.idx.msk [tilespmem:v3+s30+$0x0], $0xffff;
	[tilespmem:s1+$0x30] =	vst v6  }
0xa5: {  	s1 =	sadd.s32 $0x80, s1;
	v3 =	vld.idx.msk [tilespmem:v7+s30+$0x0], $0xffff;
	[tilespmem:s31+$0xFFFFFFD0] =	vst v8  }
0xa6: {  	[tilespmem:s31+$0xFFFFFFE0] =	vst v5  }
0xa7: {  	[tilespmem:s31+$0xFFFFFFF0] =	vst v4  }
0xa8: {  	[tilespmem:s31+$0x0] =	vst v2  }
0xa9: {  	[tilespmem:s31+$0x10] =	vst v1  }
0xaa: {  	[tilespmem:s31+$0x20] =	vst v0  }
0xab: {  	[tilespmem:s31+$0xFFFFFFC0] =	vst v3  }
.LBB2_13:
0xac: {  	s0 =	sshra.s32 s30, $0x2  }
0xad: {  	v0 =	vld [tilespmem:s0+$0x1EE00];
	_ =	sdelay $0x7  }
0xae: {  	p0 =	sne.s32 s30, $0xC0;
	v0 =	vld.idx.msk [tilespmem:v0+s3+$0x0], $0xffff  }
.Ltmp5:
0xaf: {  	_ = 	snop;
	(pc) =	sbr.rel @p0 .LBB2_13-.Ltmp5, $2  }
0xb0: {  	_ =	sdelay $0x2  }
0xb1: {  	s30 =	sadd.s32 $0x40, s30;
	[tilespmem:s0+$0x1EE00] =	vst v0  }
0xb2: {  	p0 =	seq.s32 s26, $0x7  }
0xb3: {  	_ =	swait.ge [sflag:s23], $0x1F40;
	s26 =	sadd.s32 $0x1, s26;
	s0 =	sadd.s32 @!p0 s29, s12  }
0xb4: {  	[sflag:s23] =	ssyncset.done $0x0;
	s1 =	simm.s32 @!p0 $0x0;
	s0 =	sshrl.u32 @!p0 s0, $0x3  }
0xb5: {  	s29 =	simm.s32 @!p0 $0x1AF80;
	[sflag:s23] =	ssyncadd.s32 $0xFFFFE0C0;
	s0 =	sadd.s32 @!p0 s5, s0  }
0xb6: {  	[tilespmem:s29], [sflag:$0x2] =	stream.linear.gather @!p0 [hbm4b:s0+s1], $0x1F40, $0x38;
	[tilespmem:$0x1EE80] =	vst v63  }
0xb7: {  	p0 =	sne.s32 s26, $0x8  }
.Ltmp6:
0xb8: {  	_ = 	snop;
	(pc) =	sbr.rel @p0 .LBB2_2-.Ltmp6, $3  }
0xb9: {  	_ =	sdelay $0x1  }
0xba: {  	s31 =	sadd.s32 s2, s28  }
0xbb: {  	[hbm4b:s31+s3] =	stream.linear.scatter [tilespmem:s19], [sflag:$0x6], $0x1F40, $0x38;
	[tilespmem:$0x1EE80] =	vst v63  }
0xbc: {  	_ =	swait.ge [sflag:s18], $0x1F40  }
0xbd: {  	[sflag:s18] =	ssyncset.done $0x0  }
0xbe: {  	s28 =	simm.s32 $0x19040;
	[sflag:s18] =	ssyncadd.s32 $0xFFFFE0C0  }
0xbf: {  	v0 =	vld [tilespmem:s28+$0x30]  }
0xc0: {  	v1 =	vld [tilespmem:s28+$0xFFFFFFD0]  }
0xc1: {  	v2 =	vld [tilespmem:s28+$0xFFFFFFE0]  }
0xc2: {  	v3 =	vld [tilespmem:s28+$0xFFFFFFF0]  }
0xc3: {  	v6 =	vld [tilespmem:s28+$0x0]  }
0xc4: {  	v7 =	vld [tilespmem:s28+$0x10]  }
0xc5: {  	v8 =	vld [tilespmem:s28+$0x20]  }
0xc6: {  	s26 =	simm.s32 $0x0;
	v9 =	vld [tilespmem:s28+$0xFFFFFFC0]  }
0xc7: {  	v10 =	vld.idx.msk [tilespmem:v0+s26+$0x0], $0xffff  }
0xc8: {  	v11 =	vld.idx.msk [tilespmem:v1+s26+$0x0], $0xffff  }
0xc9: {  	v5 =	vld.idx.msk [tilespmem:v2+s26+$0x0], $0xffff  }
0xca: {  	v4 =	vld.idx.msk [tilespmem:v3+s26+$0x0], $0xffff  }
0xcb: {  	v2 =	vld.idx.msk [tilespmem:v6+s26+$0x0], $0xffff  }
0xcc: {  	v1 =	vld.idx.msk [tilespmem:v7+s26+$0x0], $0xffff  }
0xcd: {  	v0 =	vld.idx.msk [tilespmem:v8+s26+$0x0], $0xffff;
	[tilespmem:s28+$0x30] =	vst v10  }
0xce: {  	s0 =	simm.s32 $0x0;
	s1 =	simm.s32 $0x190C0;
	v3 =	vld.idx.msk [tilespmem:v9+s26+$0x0], $0xffff;
	[tilespmem:s28+$0xFFFFFFD0] =	vst v11  }
.LBB2_16:
0xcf: {  	v6 =	vld [tilespmem:s1+$0x30];
	s0 =	sadd.s32 $0x8, s0;
	[tilespmem:s28+$0xFFFFFFE0] =	vst v5  }
0xd0: {  	v5 =	vld [tilespmem:s1+$0xFFFFFFD0];
	p0 =	slt.u32 s0, $0x1E8;
	[tilespmem:s28+$0xFFFFFFF0] =	vst v4  }
0xd1: {  	v4 =	vld [tilespmem:s1+$0xFFFFFFE0];
	[tilespmem:s28+$0x0] =	vst v2  }
0xd2: {  	v2 =	vld [tilespmem:s1+$0xFFFFFFF0];
	[tilespmem:s28+$0x10] =	vst v1  }
0xd3: {  	v1 =	vld [tilespmem:s1+$0x0];
	[tilespmem:s28+$0x20] =	vst v0  }
0xd4: {  	v0 =	vld [tilespmem:s1+$0x10];
	[tilespmem:s28+$0xFFFFFFC0] =	vst v3;
	s28 =	smov.u32 s1  }
0xd5: {  	v3 =	vld [tilespmem:s1+$0x20]  }
0xd6: {  	v7 =	vld [tilespmem:s1+$0xFFFFFFC0]  }
0xd7: {  	v6 =	vld.idx.msk [tilespmem:v6+s26+$0x0], $0xffff  }
0xd8: {  	v8 =	vld.idx.msk [tilespmem:v5+s26+$0x0], $0xffff  }
0xd9: {  	v5 =	vld.idx.msk [tilespmem:v4+s26+$0x0], $0xffff  }
.Ltmp7:
0xda: {  	v4 =	vld.idx.msk [tilespmem:v2+s26+$0x0], $0xffff;
	(pc) =	sbr.rel @p0 .LBB2_16-.Ltmp7, $4  }
0xdb: {  	v2 =	vld.idx.msk [tilespmem:v1+s26+$0x0], $0xffff  }
0xdc: {  	v1 =	vld.idx.msk [tilespmem:v0+s26+$0x0], $0xffff  }
0xdd: {  	v0 =	vld.idx.msk [tilespmem:v3+s26+$0x0], $0xffff;
	[tilespmem:s1+$0x30] =	vst v6  }
0xde: {  	s1 =	sadd.s32 $0x80, s1;
	v3 =	vld.idx.msk [tilespmem:v7+s26+$0x0], $0xffff;
	[tilespmem:s28+$0xFFFFFFD0] =	vst v8  }
0xdf: {  	[tilespmem:s28+$0xFFFFFFE0] =	vst v5  }
0xe0: {  	[tilespmem:s28+$0xFFFFFFF0] =	vst v4  }
0xe1: {  	[tilespmem:s28+$0x0] =	vst v2  }
0xe2: {  	[tilespmem:s28+$0x10] =	vst v1  }
0xe3: {  	[tilespmem:s28+$0x20] =	vst v0  }
0xe4: {  	[tilespmem:s28+$0xFFFFFFC0] =	vst v3  }
.LBB2_18:
0xe5: {  	s0 =	sshra.s32 s26, $0x2  }
0xe6: {  	v0 =	vld [tilespmem:s0+$0x1AF00];
	_ =	sdelay $0x7  }
0xe7: {  	p0 =	sne.s32 s26, $0xC0;
	v0 =	vld.idx.msk [tilespmem:v0+s3+$0x0], $0xffff  }
.Ltmp8:
0xe8: {  	_ = 	snop;
	(pc) =	sbr.rel @p0 .LBB2_18-.Ltmp8, $2  }
0xe9: {  	_ =	sdelay $0x2  }
0xea: {  	s26 =	sadd.s32 $0x40, s26;
	[tilespmem:s0+$0x1AF00] =	vst v0  }
0xeb: {  	_ =	swait.ge [sflag:s24], $0x1F40;
	s25 =	sadd.s32 $0x1, s25  }
0xec: {  	[sflag:s24] =	ssyncset.done $0x0;
	p0 =	sne.s32 s25, s14  }
.Ltmp9:
0xed: {  	[sflag:s24] =	ssyncadd.s32 $0xFFFFE0C0;
	(pc) =	sbr.rel @p0 .LBB2_1-.Ltmp9, $4  }
0xee: {  	[hbm4b:s13+s3] =	stream.linear.scatter [tilespmem:s15], [sflag:$0x4], $0x1F40, $0x38;
	[tilespmem:$0x1EE80] =	vst v63  }
0xef: {  	_ =	swait.ge [sflag:s21], $0x1F40  }
0xf0: {  	[sflag:s21] =	ssyncset.done $0x0  }
0xf1: {  	[sflag:s21] =	ssyncadd.s32 $0xFFFFE0C0  }
0xf2: {  	_ =	sfence.sel $0x180000  }
0xf3: {  	[bflag:$0x0] =	sbarrier.arrive $0xFFFF  }
0xf4: {  	_ =	strace $0x9000004A  }
0xf5: {  	s0 =	stileid.u32;
	[bflag:$0x2] =	sbarrier.arrive $0xFFFF  }
0xf6: {  	p0 =	sne.s32 s0, $0x0;
	s0 =	rddreg [dreg:$0x2]  }
0xf7: {  	s0 =	sadd.s32 @!p0 $0x100000, s0  }
0xf8: {  	[sflag:s0] =	ssyncadd.tile.s32 @!p0 $0x1;
	_ =	shalt  }
.Lfunc_end2:
_tile_overlayer_lowered:
.L_overlay_start_2:
0xf9: {  	(tag) =	ssettag $0x2  }
0xfa: {  	s0 =	rddreg [dreg:$0x0];
	s2 =	stileid.u32  }
0xfb: {  	s1 =	rddreg [dreg:$0x1];
	p0 =	sne.s32 s2, $0x0  }
0xfc: {  	s3 =	rddreg [dreg:$0x2];
	[bflag:$0x3] =	sbarrier.arrive $0xFFFF;
	s2 =	simm.s32 @!p0 $0x1C07  }
0xfd: {  	[timem:s3], [sflag:s2] =	dma.local @!p0 [hbm:s0], s1  }
0xfe: {  	s0 =	simm.s32 @!p0 $0x7  }
0xff: {  	_ =	swait.ge @!p0 [sflag:s0], s1  }
0x100: {  	s1 =	ssub.s32 @!p0 $0x0, s1;
	[sflag:s0] =	ssyncset.done @!p0 $0x0  }
0x101: {  	[sflag:s0] =	ssyncadd.s32 @!p0 s1  }
0x102: {  	[bflag:$0x3] =	sbarrier.arrive $0xFFFF  }
0x103: {  	_ =	shalt  }

</sc_bundles>
